<compile_context>
chip_gen: v7x
topology: tpu7x:2x2x1
jax: 0.10.2.dev20260603
libtpu: 0.0.44.dev20260713+nightly
codegen_flags: <defaults>
</compile_context>

<pallas_src>
import functools

import jax
import jax.numpy as jnp
from jax import lax
from jax.experimental import pallas as pl
from jax.experimental.pallas import tpu as pltpu
from jax.experimental.pallas import tpu_sc as plsc

_EPS = 1e-6


def _gather16(x, perm, L):
    dnums = lax.GatherDimensionNumbers(
        offset_dims=(), collapsed_slice_dims=(0,), start_index_map=(0,)
    )
    return lax.gather(
        x, perm.reshape(L, 1), dimension_numbers=dnums, slice_sizes=(1,),
        mode=lax.GatherScatterMode.PROMISE_IN_BOUNDS,
    )


def _vrsqrt(x):
    i = lax.bitcast_convert_type(x, jnp.int32)
    i = jnp.int32(0x5F3759DF) - lax.shift_right_arithmetic(i, 1)
    y = lax.bitcast_convert_type(i, jnp.float32)
    for _ in range(3):
        y = y * (1.5 - 0.5 * x * y * y)
    return y


@functools.cache
def _make_fused(V, D, B):
    info = plsc.get_sparse_core_info()
    NC, NS, L = info.num_cores, info.num_subcores, info.num_lanes
    NW = NC * NS
    n_vreg = D // L
    b_per_w = B // NW
    C = 64
    NBUF = 4
    n_chunks = b_per_w // C
    assert B % (8 * NW) == 0 and D % L == 0 and C % L == 0 and n_chunks >= 4

    mesh = plsc.VectorSubcoreMesh(core_axis_name="c", subcore_axis_name="s")

    @functools.partial(
        pl.kernel,
        mesh=mesh,
        out_type=jax.ShapeDtypeStruct((B, D), jnp.float32),
        scratch_types=[
            pltpu.VMEM((b_per_w,), jnp.int32),
            pltpu.VMEM((NBUF * C, D), jnp.float32),
            pltpu.VMEM((D,), jnp.float32),
            pltpu.VMEM((C, 16), jnp.float32),
            pltpu.SemaphoreType.DMA((NBUF,)),
            pltpu.SemaphoreType.DMA((NBUF,)),
        ],
    )
    def k(ids_hbm, table_hbm, w_hbm, out_hbm, idx_v, buf, wv, sc_v, gsem, ssem):
        wid = lax.axis_index("s") * NC + lax.axis_index("c")
        base = wid * b_per_w
        iota = jnp.arange(L, dtype=jnp.int32)
        perms = [jnp.asarray(iota ^ m, dtype=jnp.int32) for m in (1, 2, 4, 8)]

        pltpu.sync_copy(w_hbm, wv)
        pltpu.sync_copy(ids_hbm.at[pl.ds(base, b_per_w)], idx_v)
        ws = [wv[pl.ds(j * L, L)] for j in range(n_vreg)]

        def bslice(slot):
            return buf.at[pl.ds(slot * C, C)]

        def gather(c, slot):
            pltpu.async_copy(
                table_hbm.at[idx_v.at[pl.ds(c * C, C)]], bslice(slot),
                gsem.at[slot],
            )

        def wait_gather(slot):
            pltpu.make_async_copy(
                table_hbm.at[pl.ds(0, C)], bslice(slot), gsem.at[slot]
            ).wait()

        def store(c, slot):
            pltpu.async_copy(
                bslice(slot), out_hbm.at[pl.ds(base + c * C, C)], ssem.at[slot]
            )

        def wait_store(slot):
            pltpu.make_async_copy(
                bslice(slot), out_hbm.at[pl.ds(base, C)], ssem.at[slot]
            ).wait()

        def normalize_chunk(slot):
            row0 = slot * C

            @plsc.parallel_loop(0, C, unroll=4)
            def _(r):
                a0 = jnp.zeros((L,), jnp.float32)
                a1 = jnp.zeros((L,), jnp.float32)
                a2 = jnp.zeros((L,), jnp.float32)
                for j in range(0, n_vreg, 3):
                    v = buf[row0 + r, pl.ds(j * L, L)]
                    a0 = a0 + v * v
                    v = buf[row0 + r, pl.ds((j + 1) * L, L)]
                    a1 = a1 + v * v
                    v = buf[row0 + r, pl.ds((j + 2) * L, L)]
                    a2 = a2 + v * v
                acc = a0 + (a1 + a2)
                for lvl in range(4):
                    acc = acc + _gather16(acc, perms[lvl], L)
                sc_v[r, pl.ds(0, L)] = _vrsqrt(acc * (1.0 / D) + _EPS)

            @plsc.parallel_loop(0, C, unroll=4)
            def _(r):
                sb = sc_v[r, pl.ds(0, L)]
                for j in range(n_vreg):
                    buf[row0 + r, pl.ds(j * L, L)] = (
                        buf[row0 + r, pl.ds(j * L, L)] * (ws[j] * sb)
                    )

        gather(0, 0)
        gather(1, 1)

        def chunk_body(c, carry):
            slot = lax.rem(c, NBUF)
            nslot = lax.rem(c + 2, NBUF)
            wait_gather(slot)

            @pl.when(c >= 2)
            def _():
                wait_store(nslot)

            @pl.when(c + 2 < n_chunks)
            def _():
                gather(c + 2, nslot)

            normalize_chunk(slot)
            store(c, slot)
            return carry

        lax.fori_loop(0, n_chunks, chunk_body, 0)
        for c in (n_chunks - 2, n_chunks - 1):
            wait_store(lax.rem(jnp.int32(c), NBUF))

    return k


def kernel(input_ids, tok_embeddings, norm_weight):
    Bt, S = input_ids.shape
    V, D = tok_embeddings.shape
    ids = input_ids.reshape(-1)
    out = _make_fused(V, D, Bt * S)(ids, tok_embeddings, norm_weight)
    return out.reshape(Bt, S, D)

# --- scband reference (transcript-rebuilt; emitter-appended) ---
"""Pipeline reference for scband-prok-bert-embeddings-18073222381875 (READ-ONLY COPY).

The authoritative reference and input builder live on the scoring server;
editing this copy changes nothing except your own understanding.
"""

import jax, jax.numpy as jnp
import numpy as np

VOCAB = 4608
HIDDEN = 384
BATCH = 4
SEQ = 8192
EPS = 1e-6


def setup_inputs(seed: int = 0) -> dict:
    key = jax.random.key(seed)
    k1, k2 = jax.random.split(key, 2)
    input_ids = jax.random.randint(k1, (BATCH, SEQ), 0, VOCAB, dtype=jnp.int32)
    tok_embeddings = jax.random.normal(k2, (VOCAB, HIDDEN), dtype=jnp.float32) * 0.02
    # padding_idx = pad_token_id = 0: row zeroed as in nn.Embedding(padding_idx=0)
    tok_embeddings = tok_embeddings.at[0].set(0.0)
    norm_weight = jnp.ones((HIDDEN,), dtype=jnp.float32)
    return {"input_ids": input_ids, "tok_embeddings": tok_embeddings, "norm_weight": norm_weight}


def _rms_norm(x, weight, eps=EPS):
    var = jnp.mean(jnp.square(x.astype(jnp.float32)), axis=-1, keepdims=True)
    x = x * jax.lax.rsqrt(var + eps)
    return (x * weight).astype(jnp.float32)


def reference(input_ids, tok_embeddings, norm_weight):
    # ProkBertEmbeddings.forward: embedding lookup -> RMSNorm -> dropout (eval: identity)
    hidden = jnp.take(tok_embeddings, input_ids, axis=0)
    hidden = _rms_norm(hidden, norm_weight)
    return hidden

if __name__ == "__main__":
    import jax
    _d = setup_inputs()
    print(jax.jit(kernel)(*tuple(_d.values())))

</pallas_src>

<mosaic_0001>
#map = affine_map<(d0, d1) -> (0)>
#map1 = affine_map<(d0, d1) -> (0, 0)>
module attributes {stable_mosaic.version = 14 : i64} {
  func.func @k(%arg0: i32, %arg1: i32, %arg2: memref<32768xi32, #tpu.memory_space<hbm>>, %arg3: memref<4608x384xf32, #tpu.memory_space<hbm>>, %arg4: memref<384xf32, #tpu.memory_space<hbm>>, %arg5: memref<32768x384xf32, #tpu.memory_space<hbm>>, %arg6: memref<1024xi32, #tpu.memory_space<vmem>>, %arg7: memref<256x384xf32, #tpu.memory_space<vmem>>, %arg8: memref<384xf32, #tpu.memory_space<vmem>>, %arg9: memref<64x16xf32, #tpu.memory_space<vmem>>, %arg10: memref<4x!tpu.dma_semaphore, #tpu.memory_space<semaphore_mem>>, %arg11: memref<4x!tpu.dma_semaphore, #tpu.memory_space<semaphore_mem>>) attributes {dimension_semantics = [#tpu.dimension_semantics<core_parallel>, #tpu.dimension_semantics<subcore_parallel>], iteration_bounds = array<i64: 2, 16>, scalar_prefetch = 0 : i64, scratch_operands = 6 : i64, tpu.core_type = #tpu.core_type<sc_vector_subcore>, window_params = [{transform_indices = #map}, {transform_indices = #map1}, {transform_indices = #map}, {transform_indices = #map1}]} {
    %mul3A = arith.constant 2 : i32
    %mul3A_0 = arith.muli %arg1, %mul3A : i32
    %add3A = arith.addi %mul3A_0, %arg0 : i32
    %mul3A_1 = arith.constant 1024 : i32
    %mul3A_2 = arith.muli %add3A, %mul3A_1 : i32
    %iota3A = tpu.iota {dimensions = array<i32: 0>} : vector<16xi32>
    %xor3A = arith.constant 1 : i32
    %xor3A_3 = vector.broadcast %xor3A : i32 to vector<16xi32>
    %xor3A_4 = arith.xori %iota3A, %xor3A_3 : vector<16xi32>
    %xor3A_5 = arith.constant 2 : i32
    %xor3A_6 = vector.broadcast %xor3A_5 : i32 to vector<16xi32>
    %xor3A_7 = arith.xori %iota3A, %xor3A_6 : vector<16xi32>
    %xor3A_8 = arith.constant 4 : i32
    %xor3A_9 = vector.broadcast %xor3A_8 : i32 to vector<16xi32>
    %xor3A_10 = arith.xori %iota3A, %xor3A_9 : vector<16xi32>
    %xor3A_11 = arith.constant 8 : i32
    %xor3A_12 = vector.broadcast %xor3A_11 : i32 to vector<16xi32>
    %xor3A_13 = arith.xori %iota3A, %xor3A_12 : vector<16xi32>
    "tpu.region"() ({
      %run_scoped3A = tpu.sem_alloc : memref<!tpu.dma_semaphore, #tpu.memory_space<semaphore_mem>>
      tpu.enqueue_dma source(%arg4 : memref<384xf32, #tpu.memory_space<hbm>>) target(%arg8 : memref<384xf32, #tpu.memory_space<vmem>>) target_semaphore(%run_scoped3A : memref<!tpu.dma_semaphore, #tpu.memory_space<semaphore_mem>>)
      tpu.wait_dma2 semaphore(%run_scoped3A : memref<!tpu.dma_semaphore, #tpu.memory_space<semaphore_mem>>) src(%arg4 : memref<384xf32, #tpu.memory_space<hbm>>) dst(%arg8 : memref<384xf32, #tpu.memory_space<vmem>>)
      tpu.yield
    }) : () -> ()
    "tpu.region"() ({
      %run_scoped3A = tpu.sem_alloc : memref<!tpu.dma_semaphore, #tpu.memory_space<semaphore_mem>>
      %dma_start3A_139 = tpu.memref_slice %arg2[%mul3A_2] : memref<32768xi32, #tpu.memory_space<hbm>> -> memref<1024xi32, #tpu.memory_space<hbm>>
      %dma_start3A_140 = tpu.memref_slice %arg2[%mul3A_2] : memref<32768xi32, #tpu.memory_space<hbm>> -> memref<1024xi32, #tpu.memory_space<hbm>>
      tpu.enqueue_dma source(%dma_start3A_140 : memref<1024xi32, #tpu.memory_space<hbm>>) target(%arg6 : memref<1024xi32, #tpu.memory_space<vmem>>) target_semaphore(%run_scoped3A : memref<!tpu.dma_semaphore, #tpu.memory_space<semaphore_mem>>)
      %dma_wait3A_141 = tpu.memref_slice %arg2[%mul3A_2] : memref<32768xi32, #tpu.memory_space<hbm>> -> memref<1024xi32, #tpu.memory_space<hbm>>
      %dma_wait3A_142 = tpu.memref_slice %arg2[%mul3A_2] : memref<32768xi32, #tpu.memory_space<hbm>> -> memref<1024xi32, #tpu.memory_space<hbm>>
      tpu.wait_dma2 semaphore(%run_scoped3A : memref<!tpu.dma_semaphore, #tpu.memory_space<semaphore_mem>>) src(%dma_wait3A_142 : memref<1024xi32, #tpu.memory_space<hbm>>) dst(%arg6 : memref<1024xi32, #tpu.memory_space<vmem>>)
      tpu.yield
    }) : () -> ()
    %get3A = arith.constant 0 : index
    %get3A_14 = tpu.vector_load %arg8[%get3A] {strides = array<i32>} : memref<384xf32, #tpu.memory_space<vmem>>, vector<16xf32>,
    %get3A_15 = vector.shape_cast %get3A_14 : vector<16xf32> to vector<16xf32>
    %get3A_16 = arith.constant 16 : index
    %get3A_17 = tpu.vector_load %arg8[%get3A_16] {strides = array<i32>} : memref<384xf32, #tpu.memory_space<vmem>>, vector<16xf32>,
    %get3A_18 = vector.shape_cast %get3A_17 : vector<16xf32> to vector<16xf32>
    %get3A_19 = arith.constant 32 : index
    %get3A_20 = tpu.vector_load %arg8[%get3A_19] {strides = array<i32>} : memref<384xf32, #tpu.memory_space<vmem>>, vector<16xf32>,
    %get3A_21 = vector.shape_cast %get3A_20 : vector<16xf32> to vector<16xf32>
    %get3A_22 = arith.constant 48 : index
    %get3A_23 = tpu.vector_load %arg8[%get3A_22] {strides = array<i32>} : memref<384xf32, #tpu.memory_space<vmem>>, vector<16xf32>,
    %get3A_24 = vector.shape_cast %get3A_23 : vector<16xf32> to vector<16xf32>
    %get3A_25 = arith.constant 64 : index
    %get3A_26 = tpu.vector_load %arg8[%get3A_25] {strides = array<i32>} : memref<384xf32, #tpu.memory_space<vmem>>, vector<16xf32>,
    %get3A_27 = vector.shape_cast %get3A_26 : vector<16xf32> to vector<16xf32>
    %get3A_28 = arith.constant 80 : index
    %get3A_29 = tpu.vector_load %arg8[%get3A_28] {strides = array<i32>} : memref<384xf32, #tpu.memory_space<vmem>>, vector<16xf32>,
    %get3A_30 = vector.shape_cast %get3A_29 : vector<16xf32> to vector<16xf32>
    %get3A_31 = arith.constant 96 : index
    %get3A_32 = tpu.vector_load %arg8[%get3A_31] {strides = array<i32>} : memref<384xf32, #tpu.memory_space<vmem>>, vector<16xf32>,
    %get3A_33 = vector.shape_cast %get3A_32 : vector<16xf32> to vector<16xf32>
    %get3A_34 = arith.constant 112 : index
    %get3A_35 = tpu.vector_load %arg8[%get3A_34] {strides = array<i32>} : memref<384xf32, #tpu.memory_space<vmem>>, vector<16xf32>,
    %get3A_36 = vector.shape_cast %get3A_35 : vector<16xf32> to vector<16xf32>
    %get3A_37 = arith.constant 128 : index
    %get3A_38 = tpu.vector_load %arg8[%get3A_37] {strides = array<i32>} : memref<384xf32, #tpu.memory_space<vmem>>, vector<16xf32>,
    %get3A_39 = vector.shape_cast %get3A_38 : vector<16xf32> to vector<16xf32>
    %get3A_40 = arith.constant 144 : index
    %get3A_41 = tpu.vector_load %arg8[%get3A_40] {strides = array<i32>} : memref<384xf32, #tpu.memory_space<vmem>>, vector<16xf32>,
    %get3A_42 = vector.shape_cast %get3A_41 : vector<16xf32> to vector<16xf32>
    %get3A_43 = arith.constant 160 : index
    %get3A_44 = tpu.vector_load %arg8[%get3A_43] {strides = array<i32>} : memref<384xf32, #tpu.memory_space<vmem>>, vector<16xf32>,
    %get3A_45 = vector.shape_cast %get3A_44 : vector<16xf32> to vector<16xf32>
    %get3A_46 = arith.constant 176 : index
    %get3A_47 = tpu.vector_load %arg8[%get3A_46] {strides = array<i32>} : memref<384xf32, #tpu.memory_space<vmem>>, vector<16xf32>,
    %get3A_48 = vector.shape_cast %get3A_47 : vector<16xf32> to vector<16xf32>
    %get3A_49 = arith.constant 192 : index
    %get3A_50 = tpu.vector_load %arg8[%get3A_49] {strides = array<i32>} : memref<384xf32, #tpu.memory_space<vmem>>, vector<16xf32>,
    %get3A_51 = vector.shape_cast %get3A_50 : vector<16xf32> to vector<16xf32>
    %get3A_52 = arith.constant 208 : index
    %get3A_53 = tpu.vector_load %arg8[%get3A_52] {strides = array<i32>} : memref<384xf32, #tpu.memory_space<vmem>>, vector<16xf32>,
    %get3A_54 = vector.shape_cast %get3A_53 : vector<16xf32> to vector<16xf32>
    %get3A_55 = arith.constant 224 : index
    %get3A_56 = tpu.vector_load %arg8[%get3A_55] {strides = array<i32>} : memref<384xf32, #tpu.memory_space<vmem>>, vector<16xf32>,
    %get3A_57 = vector.shape_cast %get3A_56 : vector<16xf32> to vector<16xf32>
    %get3A_58 = arith.constant 240 : index
    %get3A_59 = tpu.vector_load %arg8[%get3A_58] {strides = array<i32>} : memref<384xf32, #tpu.memory_space<vmem>>, vector<16xf32>,
    %get3A_60 = vector.shape_cast %get3A_59 : vector<16xf32> to vector<16xf32>
    %get3A_61 = arith.constant 256 : index
    %get3A_62 = tpu.vector_load %arg8[%get3A_61] {strides = array<i32>} : memref<384xf32, #tpu.memory_space<vmem>>, vector<16xf32>,
    %get3A_63 = vector.shape_cast %get3A_62 : vector<16xf32> to vector<16xf32>
    %get3A_64 = arith.constant 272 : index
    %get3A_65 = tpu.vector_load %arg8[%get3A_64] {strides = array<i32>} : memref<384xf32, #tpu.memory_space<vmem>>, vector<16xf32>,
    %get3A_66 = vector.shape_cast %get3A_65 : vector<16xf32> to vector<16xf32>
    %get3A_67 = arith.constant 288 : index
    %get3A_68 = tpu.vector_load %arg8[%get3A_67] {strides = array<i32>} : memref<384xf32, #tpu.memory_space<vmem>>, vector<16xf32>,
    %get3A_69 = vector.shape_cast %get3A_68 : vector<16xf32> to vector<16xf32>
    %get3A_70 = arith.constant 304 : index
    %get3A_71 = tpu.vector_load %arg8[%get3A_70] {strides = array<i32>} : memref<384xf32, #tpu.memory_space<vmem>>, vector<16xf32>,
    %get3A_72 = vector.shape_cast %get3A_71 : vector<16xf32> to vector<16xf32>
    %get3A_73 = arith.constant 320 : index
    %get3A_74 = tpu.vector_load %arg8[%get3A_73] {strides = array<i32>} : memref<384xf32, #tpu.memory_space<vmem>>, vector<16xf32>,
    %get3A_75 = vector.shape_cast %get3A_74 : vector<16xf32> to vector<16xf32>
    %get3A_76 = arith.constant 336 : index
    %get3A_77 = tpu.vector_load %arg8[%get3A_76] {strides = array<i32>} : memref<384xf32, #tpu.memory_space<vmem>>, vector<16xf32>,
    %get3A_78 = vector.shape_cast %get3A_77 : vector<16xf32> to vector<16xf32>
    %get3A_79 = arith.constant 352 : index
    %get3A_80 = tpu.vector_load %arg8[%get3A_79] {strides = array<i32>} : memref<384xf32, #tpu.memory_space<vmem>>, vector<16xf32>,
    %get3A_81 = vector.shape_cast %get3A_80 : vector<16xf32> to vector<16xf32>
    %get3A_82 = arith.constant 368 : index
    %get3A_83 = tpu.vector_load %arg8[%get3A_82] {strides = array<i32>} : memref<384xf32, #tpu.memory_space<vmem>>, vector<16xf32>,
    %get3A_84 = vector.shape_cast %get3A_83 : vector<16xf32> to vector<16xf32>
    %dma_start3A = arith.constant 0 : i32
    %dma_start3A_85 = arith.constant 0 : i32
    %dma_start3A_86 = arith.constant 0 : i32
    %dma_start3A_87 = tpu.memref_slice %arg7[%dma_start3A_85, %dma_start3A_86] : memref<256x384xf32, #tpu.memory_space<vmem>> -> memref<64x384xf32, #tpu.memory_space<vmem>>
    %dma_start3A_88 = arith.constant 0 : i32
    %dma_start3A_89 = tpu.memref_slice %arg6[%dma_start3A_88] : memref<1024xi32, #tpu.memory_space<vmem>> -> memref<64xi32, #tpu.memory_space<vmem>>
    %dma_start3A_90 = arith.constant 0 : i32
    %dma_start3A_91 = arith.constant 0 : i32
    %dma_start3A_92 = tpu.memref_slice %arg3[%dma_start3A_90, %dma_start3A_91] : memref<4608x384xf32, #tpu.memory_space<hbm>> -> memref<4608x384xf32, #tpu.memory_space<hbm>>
    %dma_start3A_93 = tpu.memref_slice %arg10[%dma_start3A] : memref<4x!tpu.dma_semaphore, #tpu.memory_space<semaphore_mem>> -> memref<1x!tpu.dma_semaphore, #tpu.memory_space<semaphore_mem>>
    %dma_start3A_94 = tpu.memref_squeeze %dma_start3A_93 : memref<1x!tpu.dma_semaphore, #tpu.memory_space<semaphore_mem>> -> memref<!tpu.dma_semaphore, #tpu.memory_space<semaphore_mem>>
    tpu.enqueue_indirect_dma source(%dma_start3A_92 : memref<4608x384xf32, #tpu.memory_space<hbm>>) target(%dma_start3A_87 : memref<64x384xf32, #tpu.memory_space<vmem>>) offsets(%dma_start3A_89 : memref<64xi32, #tpu.memory_space<vmem>>) semaphore(%dma_start3A_94 : memref<!tpu.dma_semaphore, #tpu.memory_space<semaphore_mem>>)
    %dma_start3A_95 = arith.constant 1 : i32
    %dma_start3A_96 = arith.constant 64 : i32
    %dma_start3A_97 = arith.constant 0 : i32
    %dma_start3A_98 = tpu.memref_slice %arg7[%dma_start3A_96, %dma_start3A_97] : memref<256x384xf32, #tpu.memory_space<vmem>> -> memref<64x384xf32, #tpu.memory_space<vmem>>
    %dma_start3A_99 = arith.constant 64 : i32
    %dma_start3A_100 = tpu.memref_slice %arg6[%dma_start3A_99] : memref<1024xi32, #tpu.memory_space<vmem>> -> memref<64xi32, #tpu.memory_space<vmem>>
    %dma_start3A_101 = arith.constant 0 : i32
    %dma_start3A_102 = arith.constant 0 : i32
    %dma_start3A_103 = tpu.memref_slice %arg3[%dma_start3A_101, %dma_start3A_102] : memref<4608x384xf32, #tpu.memory_space<hbm>> -> memref<4608x384xf32, #tpu.memory_space<hbm>>
    %dma_start3A_104 = tpu.memref_slice %arg10[%dma_start3A_95] : memref<4x!tpu.dma_semaphore, #tpu.memory_space<semaphore_mem>> -> memref<1x!tpu.dma_semaphore, #tpu.memory_space<semaphore_mem>>
    %dma_start3A_105 = tpu.memref_squeeze %dma_start3A_104 : memref<1x!tpu.dma_semaphore, #tpu.memory_space<semaphore_mem>> -> memref<!tpu.dma_semaphore, #tpu.memory_space<semaphore_mem>>
    tpu.enqueue_indirect_dma source(%dma_start3A_103 : memref<4608x384xf32, #tpu.memory_space<hbm>>) target(%dma_start3A_98 : memref<64x384xf32, #tpu.memory_space<vmem>>) offsets(%dma_start3A_100 : memref<64xi32, #tpu.memory_space<vmem>>) semaphore(%dma_start3A_105 : memref<!tpu.dma_semaphore, #tpu.memory_space<semaphore_mem>>)
    %scan3A = arith.constant 0 : i32
    %scan3A_106 = arith.constant 0 : i32
    %scan3A_107 = arith.constant 16 : i32
    %scan3A_108 = arith.addi %scan3A_106, %scan3A_107 : i32
    %scan3A_109 = arith.constant 1 : i32
    scf.for %scan3A_139 = %scan3A_106 to %scan3A_108 step %scan3A_109  : i32 {
      %rem3A_140 = arith.constant 4 : i32
      %rem3A_141 = arith.remsi %scan3A_139, %rem3A_140 : i32
      %add3A_142 = arith.constant 2 : i32
      %add3A_143 = arith.addi %scan3A_139, %add3A_142 : i32
      %rem3A_144 = arith.constant 4 : i32
      %rem3A_145 = arith.remsi %add3A_143, %rem3A_144 : i32
      %mul3A_146 = arith.constant 64 : i32
      %mul3A_147 = arith.muli %rem3A_141, %mul3A_146 : i32
      %dma_wait3A_148 = arith.constant 0 : i32
      %dma_wait3A_149 = tpu.memref_slice %arg7[%mul3A_147, %dma_wait3A_148] : memref<256x384xf32, #tpu.memory_space<vmem>> -> memref<64x384xf32, #tpu.memory_space<vmem>>
      %dma_wait3A_150 = arith.constant 0 : i32
      %dma_wait3A_151 = arith.constant 0 : i32
      %dma_wait3A_152 = tpu.memref_slice %arg3[%dma_wait3A_150, %dma_wait3A_151] : memref<4608x384xf32, #tpu.memory_space<hbm>> -> memref<64x384xf32, #tpu.memory_space<hbm>>
      %dma_wait3A_153 = tpu.memref_slice %arg10[%rem3A_141] : memref<4x!tpu.dma_semaphore, #tpu.memory_space<semaphore_mem>> -> memref<1x!tpu.dma_semaphore, #tpu.memory_space<semaphore_mem>>
      %dma_wait3A_154 = tpu.memref_squeeze %dma_wait3A_153 : memref<1x!tpu.dma_semaphore, #tpu.memory_space<semaphore_mem>> -> memref<!tpu.dma_semaphore, #tpu.memory_space<semaphore_mem>>
      %dma_wait3A_155 = arith.constant 0 : i32
      %dma_wait3A_156 = tpu.memref_slice %arg7[%mul3A_147, %dma_wait3A_155] : memref<256x384xf32, #tpu.memory_space<vmem>> -> memref<64x384xf32, #tpu.memory_space<vmem>>
      %dma_wait3A_157 = arith.constant 0 : i32
      %dma_wait3A_158 = arith.constant 0 : i32
      %dma_wait3A_159 = tpu.memref_slice %arg3[%dma_wait3A_157, %dma_wait3A_158] : memref<4608x384xf32, #tpu.memory_space<hbm>> -> memref<64x384xf32, #tpu.memory_space<hbm>>
      tpu.wait_dma2 semaphore(%dma_wait3A_154 : memref<!tpu.dma_semaphore, #tpu.memory_space<semaphore_mem>>) src(%dma_wait3A_159 : memref<64x384xf32, #tpu.memory_space<hbm>>) dst(%dma_wait3A_156 : memref<64x384xf32, #tpu.memory_space<vmem>>)
      %ge3A = arith.constant 2 : i32
      %ge3A_160 = arith.cmpi sge, %scan3A_139, %ge3A : i32
      %convert_element_type3A = arith.extui %ge3A_160 : i1 to i32
      %cond3A = arith.constant 0 : i32
      %cond3A_161 = arith.cmpi ne, %convert_element_type3A, %cond3A : i32
      scf.if %cond3A_161 {
        %mul3A_190 = arith.constant 64 : i32
        %mul3A_191 = arith.muli %rem3A_145, %mul3A_190 : i32
        %dma_wait3A_192 = arith.constant 0 : i32
        %dma_wait3A_193 = tpu.memref_slice %arg7[%mul3A_191, %dma_wait3A_192] : memref<256x384xf32, #tpu.memory_space<vmem>> -> memref<64x384xf32, #tpu.memory_space<vmem>>
        %dma_wait3A_194 = arith.constant 0 : i32
        %dma_wait3A_195 = tpu.memref_slice %arg5[%mul3A_2, %dma_wait3A_194] : memref<32768x384xf32, #tpu.memory_space<hbm>> -> memref<64x384xf32, #tpu.memory_space<hbm>>
        %dma_wait3A_196 = tpu.memref_slice %arg11[%rem3A_145] : memref<4x!tpu.dma_semaphore, #tpu.memory_space<semaphore_mem>> -> memref<1x!tpu.dma_semaphore, #tpu.memory_space<semaphore_mem>>
        %dma_wait3A_197 = tpu.memref_squeeze %dma_wait3A_196 : memref<1x!tpu.dma_semaphore, #tpu.memory_space<semaphore_mem>> -> memref<!tpu.dma_semaphore, #tpu.memory_space<semaphore_mem>>
        %dma_wait3A_198 = arith.constant 0 : i32
        %dma_wait3A_199 = tpu.memref_slice %arg5[%mul3A_2, %dma_wait3A_198] : memref<32768x384xf32, #tpu.memory_space<hbm>> -> memref<64x384xf32, #tpu.memory_space<hbm>>
        %dma_wait3A_200 = arith.constant 0 : i32
        %dma_wait3A_201 = tpu.memref_slice %arg7[%mul3A_191, %dma_wait3A_200] : memref<256x384xf32, #tpu.memory_space<vmem>> -> memref<64x384xf32, #tpu.memory_space<vmem>>
        tpu.wait_dma2 semaphore(%dma_wait3A_197 : memref<!tpu.dma_semaphore, #tpu.memory_space<semaphore_mem>>) src(%dma_wait3A_201 : memref<64x384xf32, #tpu.memory_space<vmem>>) dst(%dma_wait3A_199 : memref<64x384xf32, #tpu.memory_space<hbm>>)
      } else {
      }
      %add3A_162 = arith.constant 2 : i32
      %add3A_163 = arith.addi %scan3A_139, %add3A_162 : i32
      %lt3A = arith.constant 16 : i32
      %lt3A_164 = arith.cmpi slt, %add3A_163, %lt3A : i32
      %convert_element_type3A_165 = arith.extui %lt3A_164 : i1 to i32
      %cond3A_166 = arith.constant 0 : i32
      %cond3A_167 = arith.cmpi ne, %convert_element_type3A_165, %cond3A_166 : i32
      scf.if %cond3A_167 {
        %add3A_190 = arith.constant 2 : i32
        %add3A_191 = arith.addi %scan3A_139, %add3A_190 : i32
        %mul3A_192 = arith.constant 64 : i32
        %mul3A_193 = arith.muli %add3A_191, %mul3A_192 : i32
        %mul3A_194 = arith.constant 64 : i32
        %mul3A_195 = arith.muli %rem3A_145, %mul3A_194 : i32
        %dma_start3A_196 = arith.constant 0 : i32
        %dma_start3A_197 = tpu.memref_slice %arg7[%mul3A_195, %dma_start3A_196] : memref<256x384xf32, #tpu.memory_space<vmem>> -> memref<64x384xf32, #tpu.memory_space<vmem>>
        %dma_start3A_198 = tpu.memref_slice %arg6[%mul3A_193] : memref<1024xi32, #tpu.memory_space<vmem>> -> memref<64xi32, #tpu.memory_space<vmem>>
        %dma_start3A_199 = arith.constant 0 : i32
        %dma_start3A_200 = arith.constant 0 : i32
        %dma_start3A_201 = tpu.memref_slice %arg3[%dma_start3A_199, %dma_start3A_200] : memref<4608x384xf32, #tpu.memory_space<hbm>> -> memref<4608x384xf32, #tpu.memory_space<hbm>>
        %dma_start3A_202 = tpu.memref_slice %arg10[%rem3A_145] : memref<4x!tpu.dma_semaphore, #tpu.memory_space<semaphore_mem>> -> memref<1x!tpu.dma_semaphore, #tpu.memory_space<semaphore_mem>>
        %dma_start3A_203 = tpu.memref_squeeze %dma_start3A_202 : memref<1x!tpu.dma_semaphore, #tpu.memory_space<semaphore_mem>> -> memref<!tpu.dma_semaphore, #tpu.memory_space<semaphore_mem>>
        tpu.enqueue_indirect_dma source(%dma_start3A_201 : memref<4608x384xf32, #tpu.memory_space<hbm>>) target(%dma_start3A_197 : memref<64x384xf32, #tpu.memory_space<vmem>>) offsets(%dma_start3A_198 : memref<64xi32, #tpu.memory_space<vmem>>) semaphore(%dma_start3A_203 : memref<!tpu.dma_semaphore, #tpu.memory_space<semaphore_mem>>)
      } else {
      }
      %mul3A_168 = arith.constant 64 : i32
      %mul3A_169 = arith.muli %rem3A_141, %mul3A_168 : i32
      %parallel_loop3A = arith.constant 0 : i32
      %parallel_loop3A_170 = arith.constant 64 : i32
      %parallel_loop3A_171 = arith.constant 1 : i32
      scf.for %parallel_loop3A_190 = %parallel_loop3A to %parallel_loop3A_170 step %parallel_loop3A_171  : i32 {
        %parallel_loop3A_191 = arith.constant 0.000000e+00 : f32
        %parallel_loop3A_192 = vector.broadcast %parallel_loop3A_191 : f32 to vector<16xf32>
        %parallel_loop3A_193 = arith.constant 0.000000e+00 : f32
        %parallel_loop3A_194 = vector.broadcast %parallel_loop3A_193 : f32 to vector<16xf32>
        %parallel_loop3A_195 = arith.constant 0.000000e+00 : f32
        %parallel_loop3A_196 = vector.broadcast %parallel_loop3A_195 : f32 to vector<16xf32>
        %parallel_loop3A_197 = arith.addi %mul3A_169, %parallel_loop3A_190 : i32
        %parallel_loop3A_198 = arith.index_cast %parallel_loop3A_197 : i32 to index
        %parallel_loop3A_199 = arith.constant 0 : index
        %parallel_loop3A_200 = tpu.vector_load %arg7[%parallel_loop3A_198, %parallel_loop3A_199] {strides = array<i32>} : memref<256x384xf32, #tpu.memory_space<vmem>>, vector<1x16xf32>,
        %parallel_loop3A_201 = vector.shape_cast %parallel_loop3A_200 : vector<1x16xf32> to vector<16xf32>
        %parallel_loop3A_202 = arith.mulf %parallel_loop3A_201, %parallel_loop3A_201 : vector<16xf32>
        %parallel_loop3A_203 = arith.addf %parallel_loop3A_192, %parallel_loop3A_202 : vector<16xf32>
        %parallel_loop3A_204 = arith.addi %mul3A_169, %parallel_loop3A_190 : i32
        %parallel_loop3A_205 = arith.index_cast %parallel_loop3A_204 : i32 to index
        %parallel_loop3A_206 = arith.constant 16 : index
        %parallel_loop3A_207 = tpu.vector_load %arg7[%parallel_loop3A_205, %parallel_loop3A_206] {strides = array<i32>} : memref<256x384xf32, #tpu.memory_space<vmem>>, vector<1x16xf32>,
        %parallel_loop3A_208 = vector.shape_cast %parallel_loop3A_207 : vector<1x16xf32> to vector<16xf32>
        %parallel_loop3A_209 = arith.mulf %parallel_loop3A_208, %parallel_loop3A_208 : vector<16xf32>
        %parallel_loop3A_210 = arith.addf %parallel_loop3A_194, %parallel_loop3A_209 : vector<16xf32>
        %parallel_loop3A_211 = arith.addi %mul3A_169, %parallel_loop3A_190 : i32
        %parallel_loop3A_212 = arith.index_cast %parallel_loop3A_211 : i32 to index
        %parallel_loop3A_213 = arith.constant 32 : index
        %parallel_loop3A_214 = tpu.vector_load %arg7[%parallel_loop3A_212, %parallel_loop3A_213] {strides = array<i32>} : memref<256x384xf32, #tpu.memory_space<vmem>>, vector<1x16xf32>,
        %parallel_loop3A_215 = vector.shape_cast %parallel_loop3A_214 : vector<1x16xf32> to vector<16xf32>
        %parallel_loop3A_216 = arith.mulf %parallel_loop3A_215, %parallel_loop3A_215 : vector<16xf32>
        %parallel_loop3A_217 = arith.addf %parallel_loop3A_196, %parallel_loop3A_216 : vector<16xf32>
        %parallel_loop3A_218 = arith.addi %mul3A_169, %parallel_loop3A_190 : i32
        %parallel_loop3A_219 = arith.index_cast %parallel_loop3A_218 : i32 to index
        %parallel_loop3A_220 = arith.constant 48 : index
        %parallel_loop3A_221 = tpu.vector_load %arg7[%parallel_loop3A_219, %parallel_loop3A_220] {strides = array<i32>} : memref<256x384xf32, #tpu.memory_space<vmem>>, vector<1x16xf32>,
        %parallel_loop3A_222 = vector.shape_cast %parallel_loop3A_221 : vector<1x16xf32> to vector<16xf32>
        %parallel_loop3A_223 = arith.mulf %parallel_loop3A_222, %parallel_loop3A_222 : vector<16xf32>
        %parallel_loop3A_224 = arith.addf %parallel_loop3A_203, %parallel_loop3A_223 : vector<16xf32>
        %parallel_loop3A_225 = arith.addi %mul3A_169, %parallel_loop3A_190 : i32
        %parallel_loop3A_226 = arith.index_cast %parallel_loop3A_225 : i32 to index
        %parallel_loop3A_227 = arith.constant 64 : index
        %parallel_loop3A_228 = tpu.vector_load %arg7[%parallel_loop3A_226, %parallel_loop3A_227] {strides = array<i32>} : memref<256x384xf32, #tpu.memory_space<vmem>>, vector<1x16xf32>,
        %parallel_loop3A_229 = vector.shape_cast %parallel_loop3A_228 : vector<1x16xf32> to vector<16xf32>
        %parallel_loop3A_230 = arith.mulf %parallel_loop3A_229, %parallel_loop3A_229 : vector<16xf32>
        %parallel_loop3A_231 = arith.addf %parallel_loop3A_210, %parallel_loop3A_230 : vector<16xf32>
        %parallel_loop3A_232 = arith.addi %mul3A_169, %parallel_loop3A_190 : i32
        %parallel_loop3A_233 = arith.index_cast %parallel_loop3A_232 : i32 to index
        %parallel_loop3A_234 = arith.constant 80 : index
        %parallel_loop3A_235 = tpu.vector_load %arg7[%parallel_loop3A_233, %parallel_loop3A_234] {strides = array<i32>} : memref<256x384xf32, #tpu.memory_space<vmem>>, vector<1x16xf32>,
        %parallel_loop3A_236 = vector.shape_cast %parallel_loop3A_235 : vector<1x16xf32> to vector<16xf32>
        %parallel_loop3A_237 = arith.mulf %parallel_loop3A_236, %parallel_loop3A_236 : vector<16xf32>
        %parallel_loop3A_238 = arith.addf %parallel_loop3A_217, %parallel_loop3A_237 : vector<16xf32>
        %parallel_loop3A_239 = arith.addi %mul3A_169, %parallel_loop3A_190 : i32
        %parallel_loop3A_240 = arith.index_cast %parallel_loop3A_239 : i32 to index
        %parallel_loop3A_241 = arith.constant 96 : index
        %parallel_loop3A_242 = tpu.vector_load %arg7[%parallel_loop3A_240, %parallel_loop3A_241] {strides = array<i32>} : memref<256x384xf32, #tpu.memory_space<vmem>>, vector<1x16xf32>,
        %parallel_loop3A_243 = vector.shape_cast %parallel_loop3A_242 : vector<1x16xf32> to vector<16xf32>
        %parallel_loop3A_244 = arith.mulf %parallel_loop3A_243, %parallel_loop3A_243 : vector<16xf32>
        %parallel_loop3A_245 = arith.addf %parallel_loop3A_224, %parallel_loop3A_244 : vector<16xf32>
        %parallel_loop3A_246 = arith.addi %mul3A_169, %parallel_loop3A_190 : i32
        %parallel_loop3A_247 = arith.index_cast %parallel_loop3A_246 : i32 to index
        %parallel_loop3A_248 = arith.constant 112 : index
        %parallel_loop3A_249 = tpu.vector_load %arg7[%parallel_loop3A_247, %parallel_loop3A_248] {strides = array<i32>} : memref<256x384xf32, #tpu.memory_space<vmem>>, vector<1x16xf32>,
        %parallel_loop3A_250 = vector.shape_cast %parallel_loop3A_249 : vector<1x16xf32> to vector<16xf32>
        %parallel_loop3A_251 = arith.mulf %parallel_loop3A_250, %parallel_loop3A_250 : vector<16xf32>
        %parallel_loop3A_252 = arith.addf %parallel_loop3A_231, %parallel_loop3A_251 : vector<16xf32>
        %parallel_loop3A_253 = arith.addi %mul3A_169, %parallel_loop3A_190 : i32
        %parallel_loop3A_254 = arith.index_cast %parallel_loop3A_253 : i32 to index
        %parallel_loop3A_255 = arith.constant 128 : index
        %parallel_loop3A_256 = tpu.vector_load %arg7[%parallel_loop3A_254, %parallel_loop3A_255] {strides = array<i32>} : memref<256x384xf32, #tpu.memory_space<vmem>>, vector<1x16xf32>,
        %parallel_loop3A_257 = vector.shape_cast %parallel_loop3A_256 : vector<1x16xf32> to vector<16xf32>
        %parallel_loop3A_258 = arith.mulf %parallel_loop3A_257, %parallel_loop3A_257 : vector<16xf32>
        %parallel_loop3A_259 = arith.addf %parallel_loop3A_238, %parallel_loop3A_258 : vector<16xf32>
        %parallel_loop3A_260 = arith.addi %mul3A_169, %parallel_loop3A_190 : i32
        %parallel_loop3A_261 = arith.index_cast %parallel_loop3A_260 : i32 to index
        %parallel_loop3A_262 = arith.constant 144 : index
        %parallel_loop3A_263 = tpu.vector_load %arg7[%parallel_loop3A_261, %parallel_loop3A_262] {strides = array<i32>} : memref<256x384xf32, #tpu.memory_space<vmem>>, vector<1x16xf32>,
        %parallel_loop3A_264 = vector.shape_cast %parallel_loop3A_263 : vector<1x16xf32> to vector<16xf32>
        %parallel_loop3A_265 = arith.mulf %parallel_loop3A_264, %parallel_loop3A_264 : vector<16xf32>
        %parallel_loop3A_266 = arith.addf %parallel_loop3A_245, %parallel_loop3A_265 : vector<16xf32>
        %parallel_loop3A_267 = arith.addi %mul3A_169, %parallel_loop3A_190 : i32
        %parallel_loop3A_268 = arith.index_cast %parallel_loop3A_267 : i32 to index
        %parallel_loop3A_269 = arith.constant 160 : index
        %parallel_loop3A_270 = tpu.vector_load %arg7[%parallel_loop3A_268, %parallel_loop3A_269] {strides = array<i32>} : memref<256x384xf32, #tpu.memory_space<vmem>>, vector<1x16xf32>,
        %parallel_loop3A_271 = vector.shape_cast %parallel_loop3A_270 : vector<1x16xf32> to vector<16xf32>
        %parallel_loop3A_272 = arith.mulf %parallel_loop3A_271, %parallel_loop3A_271 : vector<16xf32>
        %parallel_loop3A_273 = arith.addf %parallel_loop3A_252, %parallel_loop3A_272 : vector<16xf32>
        %parallel_loop3A_274 = arith.addi %mul3A_169, %parallel_loop3A_190 : i32
        %parallel_loop3A_275 = arith.index_cast %parallel_loop3A_274 : i32 to index
        %parallel_loop3A_276 = arith.constant 176 : index
        %parallel_loop3A_277 = tpu.vector_load %arg7[%parallel_loop3A_275, %parallel_loop3A_276] {strides = array<i32>} : memref<256x384xf32, #tpu.memory_space<vmem>>, vector<1x16xf32>,
        %parallel_loop3A_278 = vector.shape_cast %parallel_loop3A_277 : vector<1x16xf32> to vector<16xf32>
        %parallel_loop3A_279 = arith.mulf %parallel_loop3A_278, %parallel_loop3A_278 : vector<16xf32>
        %parallel_loop3A_280 = arith.addf %parallel_loop3A_259, %parallel_loop3A_279 : vector<16xf32>
        %parallel_loop3A_281 = arith.addi %mul3A_169, %parallel_loop3A_190 : i32
        %parallel_loop3A_282 = arith.index_cast %parallel_loop3A_281 : i32 to index
        %parallel_loop3A_283 = arith.constant 192 : index
        %parallel_loop3A_284 = tpu.vector_load %arg7[%parallel_loop3A_282, %parallel_loop3A_283] {strides = array<i32>} : memref<256x384xf32, #tpu.memory_space<vmem>>, vector<1x16xf32>,
        %parallel_loop3A_285 = vector.shape_cast %parallel_loop3A_284 : vector<1x16xf32> to vector<16xf32>
        %parallel_loop3A_286 = arith.mulf %parallel_loop3A_285, %parallel_loop3A_285 : vector<16xf32>
        %parallel_loop3A_287 = arith.addf %parallel_loop3A_266, %parallel_loop3A_286 : vector<16xf32>
        %parallel_loop3A_288 = arith.addi %mul3A_169, %parallel_loop3A_190 : i32
        %parallel_loop3A_289 = arith.index_cast %parallel_loop3A_288 : i32 to index
        %parallel_loop3A_290 = arith.constant 208 : index
        %parallel_loop3A_291 = tpu.vector_load %arg7[%parallel_loop3A_289, %parallel_loop3A_290] {strides = array<i32>} : memref<256x384xf32, #tpu.memory_space<vmem>>, vector<1x16xf32>,
        %parallel_loop3A_292 = vector.shape_cast %parallel_loop3A_291 : vector<1x16xf32> to vector<16xf32>
        %parallel_loop3A_293 = arith.mulf %parallel_loop3A_292, %parallel_loop3A_292 : vector<16xf32>
        %parallel_loop3A_294 = arith.addf %parallel_loop3A_273, %parallel_loop3A_293 : vector<16xf32>
        %parallel_loop3A_295 = arith.addi %mul3A_169, %parallel_loop3A_190 : i32
        %parallel_loop3A_296 = arith.index_cast %parallel_loop3A_295 : i32 to index
        %parallel_loop3A_297 = arith.constant 224 : index
        %parallel_loop3A_298 = tpu.vector_load %arg7[%parallel_loop3A_296, %parallel_loop3A_297] {strides = array<i32>} : memref<256x384xf32, #tpu.memory_space<vmem>>, vector<1x16xf32>,
        %parallel_loop3A_299 = vector.shape_cast %parallel_loop3A_298 : vector<1x16xf32> to vector<16xf32>
        %parallel_loop3A_300 = arith.mulf %parallel_loop3A_299, %parallel_loop3A_299 : vector<16xf32>
        %parallel_loop3A_301 = arith.addf %parallel_loop3A_280, %parallel_loop3A_300 : vector<16xf32>
        %parallel_loop3A_302 = arith.addi %mul3A_169, %parallel_loop3A_190 : i32
        %parallel_loop3A_303 = arith.index_cast %parallel_loop3A_302 : i32 to index
        %parallel_loop3A_304 = arith.constant 240 : index
        %parallel_loop3A_305 = tpu.vector_load %arg7[%parallel_loop3A_303, %parallel_loop3A_304] {strides = array<i32>} : memref<256x384xf32, #tpu.memory_space<vmem>>, vector<1x16xf32>,
        %parallel_loop3A_306 = vector.shape_cast %parallel_loop3A_305 : vector<1x16xf32> to vector<16xf32>
        %parallel_loop3A_307 = arith.mulf %parallel_loop3A_306, %parallel_loop3A_306 : vector<16xf32>
        %parallel_loop3A_308 = arith.addf %parallel_loop3A_287, %parallel_loop3A_307 : vector<16xf32>
        %parallel_loop3A_309 = arith.addi %mul3A_169, %parallel_loop3A_190 : i32
        %parallel_loop3A_310 = arith.index_cast %parallel_loop3A_309 : i32 to index
        %parallel_loop3A_311 = arith.constant 256 : index
        %parallel_loop3A_312 = tpu.vector_load %arg7[%parallel_loop3A_310, %parallel_loop3A_311] {strides = array<i32>} : memref<256x384xf32, #tpu.memory_space<vmem>>, vector<1x16xf32>,
        %parallel_loop3A_313 = vector.shape_cast %parallel_loop3A_312 : vector<1x16xf32> to vector<16xf32>
        %parallel_loop3A_314 = arith.mulf %parallel_loop3A_313, %parallel_loop3A_313 : vector<16xf32>
        %parallel_loop3A_315 = arith.addf %parallel_loop3A_294, %parallel_loop3A_314 : vector<16xf32>
        %parallel_loop3A_316 = arith.addi %mul3A_169, %parallel_loop3A_190 : i32
        %parallel_loop3A_317 = arith.index_cast %parallel_loop3A_316 : i32 to index
        %parallel_loop3A_318 = arith.constant 272 : index
        %parallel_loop3A_319 = tpu.vector_load %arg7[%parallel_loop3A_317, %parallel_loop3A_318] {strides = array<i32>} : memref<256x384xf32, #tpu.memory_space<vmem>>, vector<1x16xf32>,
        %parallel_loop3A_320 = vector.shape_cast %parallel_loop3A_319 : vector<1x16xf32> to vector<16xf32>
        %parallel_loop3A_321 = arith.mulf %parallel_loop3A_320, %parallel_loop3A_320 : vector<16xf32>
        %parallel_loop3A_322 = arith.addf %parallel_loop3A_301, %parallel_loop3A_321 : vector<16xf32>
        %parallel_loop3A_323 = arith.addi %mul3A_169, %parallel_loop3A_190 : i32
        %parallel_loop3A_324 = arith.index_cast %parallel_loop3A_323 : i32 to index
        %parallel_loop3A_325 = arith.constant 288 : index
        %parallel_loop3A_326 = tpu.vector_load %arg7[%parallel_loop3A_324, %parallel_loop3A_325] {strides = array<i32>} : memref<256x384xf32, #tpu.memory_space<vmem>>, vector<1x16xf32>,
        %parallel_loop3A_327 = vector.shape_cast %parallel_loop3A_326 : vector<1x16xf32> to vector<16xf32>
        %parallel_loop3A_328 = arith.mulf %parallel_loop3A_327, %parallel_loop3A_327 : vector<16xf32>
        %parallel_loop3A_329 = arith.addf %parallel_loop3A_308, %parallel_loop3A_328 : vector<16xf32>
        %parallel_loop3A_330 = arith.addi %mul3A_169, %parallel_loop3A_190 : i32
        %parallel_loop3A_331 = arith.index_cast %parallel_loop3A_330 : i32 to index
        %parallel_loop3A_332 = arith.constant 304 : index
        %parallel_loop3A_333 = tpu.vector_load %arg7[%parallel_loop3A_331, %parallel_loop3A_332] {strides = array<i32>} : memref<256x384xf32, #tpu.memory_space<vmem>>, vector<1x16xf32>,
        %parallel_loop3A_334 = vector.shape_cast %parallel_loop3A_333 : vector<1x16xf32> to vector<16xf32>
        %parallel_loop3A_335 = arith.mulf %parallel_loop3A_334, %parallel_loop3A_334 : vector<16xf32>
        %parallel_loop3A_336 = arith.addf %parallel_loop3A_315, %parallel_loop3A_335 : vector<16xf32>
        %parallel_loop3A_337 = arith.addi %mul3A_169, %parallel_loop3A_190 : i32
        %parallel_loop3A_338 = arith.index_cast %parallel_loop3A_337 : i32 to index
        %parallel_loop3A_339 = arith.constant 320 : index
        %parallel_loop3A_340 = tpu.vector_load %arg7[%parallel_loop3A_338, %parallel_loop3A_339] {strides = array<i32>} : memref<256x384xf32, #tpu.memory_space<vmem>>, vector<1x16xf32>,
        %parallel_loop3A_341 = vector.shape_cast %parallel_loop3A_340 : vector<1x16xf32> to vector<16xf32>
        %parallel_loop3A_342 = arith.mulf %parallel_loop3A_341, %parallel_loop3A_341 : vector<16xf32>
        %parallel_loop3A_343 = arith.addf %parallel_loop3A_322, %parallel_loop3A_342 : vector<16xf32>
        %parallel_loop3A_344 = arith.addi %mul3A_169, %parallel_loop3A_190 : i32
        %parallel_loop3A_345 = arith.index_cast %parallel_loop3A_344 : i32 to index
        %parallel_loop3A_346 = arith.constant 336 : index
        %parallel_loop3A_347 = tpu.vector_load %arg7[%parallel_loop3A_345, %parallel_loop3A_346] {strides = array<i32>} : memref<256x384xf32, #tpu.memory_space<vmem>>, vector<1x16xf32>,
        %parallel_loop3A_348 = vector.shape_cast %parallel_loop3A_347 : vector<1x16xf32> to vector<16xf32>
        %parallel_loop3A_349 = arith.mulf %parallel_loop3A_348, %parallel_loop3A_348 : vector<16xf32>
        %parallel_loop3A_350 = arith.addf %parallel_loop3A_329, %parallel_loop3A_349 : vector<16xf32>
        %parallel_loop3A_351 = arith.addi %mul3A_169, %parallel_loop3A_190 : i32
        %parallel_loop3A_352 = arith.index_cast %parallel_loop3A_351 : i32 to index
        %parallel_loop3A_353 = arith.constant 352 : index
        %parallel_loop3A_354 = tpu.vector_load %arg7[%parallel_loop3A_352, %parallel_loop3A_353] {strides = array<i32>} : memref<256x384xf32, #tpu.memory_space<vmem>>, vector<1x16xf32>,
        %parallel_loop3A_355 = vector.shape_cast %parallel_loop3A_354 : vector<1x16xf32> to vector<16xf32>
        %parallel_loop3A_356 = arith.mulf %parallel_loop3A_355, %parallel_loop3A_355 : vector<16xf32>
        %parallel_loop3A_357 = arith.addf %parallel_loop3A_336, %parallel_loop3A_356 : vector<16xf32>
        %parallel_loop3A_358 = arith.addi %mul3A_169, %parallel_loop3A_190 : i32
        %parallel_loop3A_359 = arith.index_cast %parallel_loop3A_358 : i32 to index
        %parallel_loop3A_360 = arith.constant 368 : index
        %parallel_loop3A_361 = tpu.vector_load %arg7[%parallel_loop3A_359, %parallel_loop3A_360] {strides = array<i32>} : memref<256x384xf32, #tpu.memory_space<vmem>>, vector<1x16xf32>,
        %parallel_loop3A_362 = vector.shape_cast %parallel_loop3A_361 : vector<1x16xf32> to vector<16xf32>
        %parallel_loop3A_363 = arith.mulf %parallel_loop3A_362, %parallel_loop3A_362 : vector<16xf32>
        %parallel_loop3A_364 = arith.addf %parallel_loop3A_343, %parallel_loop3A_363 : vector<16xf32>
        %parallel_loop3A_365 = arith.addf %parallel_loop3A_357, %parallel_loop3A_364 : vector<16xf32>
        %parallel_loop3A_366 = arith.addf %parallel_loop3A_350, %parallel_loop3A_365 : vector<16xf32>
        %parallel_loop3A_367 = vector.shape_cast %xor3A_4 : vector<16xi32> to vector<16x1xi32>
        %parallel_loop3A_368 = vector.shape_cast %parallel_loop3A_367 : vector<16x1xi32> to vector<16xi32>
        %parallel_loop3A_369 = tpu.dynamic_gather %parallel_loop3A_366[%parallel_loop3A_368] in [0] : vector<16xf32>, vector<16xi32> -> vector<16xf32>
        %parallel_loop3A_370 = arith.addf %parallel_loop3A_366, %parallel_loop3A_369 : vector<16xf32>
        %parallel_loop3A_371 = vector.shape_cast %xor3A_7 : vector<16xi32> to vector<16x1xi32>
        %parallel_loop3A_372 = vector.shape_cast %parallel_loop3A_371 : vector<16x1xi32> to vector<16xi32>
        %parallel_loop3A_373 = tpu.dynamic_gather %parallel_loop3A_370[%parallel_loop3A_372] in [0] : vector<16xf32>, vector<16xi32> -> vector<16xf32>
        %parallel_loop3A_374 = arith.addf %parallel_loop3A_370, %parallel_loop3A_373 : vector<16xf32>
        %parallel_loop3A_375 = vector.shape_cast %xor3A_10 : vector<16xi32> to vector<16x1xi32>
        %parallel_loop3A_376 = vector.shape_cast %parallel_loop3A_375 : vector<16x1xi32> to vector<16xi32>
        %parallel_loop3A_377 = tpu.dynamic_gather %parallel_loop3A_374[%parallel_loop3A_376] in [0] : vector<16xf32>, vector<16xi32> -> vector<16xf32>
        %parallel_loop3A_378 = arith.addf %parallel_loop3A_374, %parallel_loop3A_377 : vector<16xf32>
        %parallel_loop3A_379 = vector.shape_cast %xor3A_13 : vector<16xi32> to vector<16x1xi32>
        %parallel_loop3A_380 = vector.shape_cast %parallel_loop3A_379 : vector<16x1xi32> to vector<16xi32>
        %parallel_loop3A_381 = tpu.dynamic_gather %parallel_loop3A_378[%parallel_loop3A_380] in [0] : vector<16xf32>, vector<16xi32> -> vector<16xf32>
        %parallel_loop3A_382 = arith.addf %parallel_loop3A_378, %parallel_loop3A_381 : vector<16xf32>
        %parallel_loop3A_383 = arith.constant 0.00260416674 : f32
        %parallel_loop3A_384 = vector.broadcast %parallel_loop3A_383 : f32 to vector<16xf32>
        %parallel_loop3A_385 = arith.mulf %parallel_loop3A_382, %parallel_loop3A_384 : vector<16xf32>
        %parallel_loop3A_386 = arith.constant 9.99999997E-7 : f32
        %parallel_loop3A_387 = vector.broadcast %parallel_loop3A_386 : f32 to vector<16xf32>
        %parallel_loop3A_388 = arith.addf %parallel_loop3A_385, %parallel_loop3A_387 : vector<16xf32>
        %parallel_loop3A_389 = tpu.bitcast %parallel_loop3A_388 : vector<16xf32> -> vector<16xi32>
        %parallel_loop3A_390 = arith.constant 1 : i32
        %parallel_loop3A_391 = vector.broadcast %parallel_loop3A_390 : i32 to vector<16xi32>
        %parallel_loop3A_392 = arith.shrsi %parallel_loop3A_389, %parallel_loop3A_391 : vector<16xi32>
        %parallel_loop3A_393 = arith.constant 1597463007 : i32
        %parallel_loop3A_394 = vector.broadcast %parallel_loop3A_393 : i32 to vector<16xi32>
        %parallel_loop3A_395 = arith.subi %parallel_loop3A_394, %parallel_loop3A_392 : vector<16xi32>
        %parallel_loop3A_396 = tpu.bitcast %parallel_loop3A_395 : vector<16xi32> -> vector<16xf32>
        %parallel_loop3A_397 = arith.constant 5.000000e-01 : f32
        %parallel_loop3A_398 = vector.broadcast %parallel_loop3A_397 : f32 to vector<16xf32>
        %parallel_loop3A_399 = arith.mulf %parallel_loop3A_398, %parallel_loop3A_388 : vector<16xf32>
        %parallel_loop3A_400 = arith.mulf %parallel_loop3A_399, %parallel_loop3A_396 : vector<16xf32>
        %parallel_loop3A_401 = arith.mulf %parallel_loop3A_400, %parallel_loop3A_396 : vector<16xf32>
        %parallel_loop3A_402 = arith.constant 1.500000e+00 : f32
        %parallel_loop3A_403 = vector.broadcast %parallel_loop3A_402 : f32 to vector<16xf32>
        %parallel_loop3A_404 = arith.subf %parallel_loop3A_403, %parallel_loop3A_401 : vector<16xf32>
        %parallel_loop3A_405 = arith.mulf %parallel_loop3A_396, %parallel_loop3A_404 : vector<16xf32>
        %parallel_loop3A_406 = arith.constant 5.000000e-01 : f32
        %parallel_loop3A_407 = vector.broadcast %parallel_loop3A_406 : f32 to vector<16xf32>
        %parallel_loop3A_408 = arith.mulf %parallel_loop3A_407, %parallel_loop3A_388 : vector<16xf32>
        %parallel_loop3A_409 = arith.mulf %parallel_loop3A_408, %parallel_loop3A_405 : vector<16xf32>
        %parallel_loop3A_410 = arith.mulf %parallel_loop3A_409, %parallel_loop3A_405 : vector<16xf32>
        %parallel_loop3A_411 = arith.constant 1.500000e+00 : f32
        %parallel_loop3A_412 = vector.broadcast %parallel_loop3A_411 : f32 to vector<16xf32>
        %parallel_loop3A_413 = arith.subf %parallel_loop3A_412, %parallel_loop3A_410 : vector<16xf32>
        %parallel_loop3A_414 = arith.mulf %parallel_loop3A_405, %parallel_loop3A_413 : vector<16xf32>
        %parallel_loop3A_415 = arith.constant 5.000000e-01 : f32
        %parallel_loop3A_416 = vector.broadcast %parallel_loop3A_415 : f32 to vector<16xf32>
        %parallel_loop3A_417 = arith.mulf %parallel_loop3A_416, %parallel_loop3A_388 : vector<16xf32>
        %parallel_loop3A_418 = arith.mulf %parallel_loop3A_417, %parallel_loop3A_414 : vector<16xf32>
        %parallel_loop3A_419 = arith.mulf %parallel_loop3A_418, %parallel_loop3A_414 : vector<16xf32>
        %parallel_loop3A_420 = arith.constant 1.500000e+00 : f32
        %parallel_loop3A_421 = vector.broadcast %parallel_loop3A_420 : f32 to vector<16xf32>
        %parallel_loop3A_422 = arith.subf %parallel_loop3A_421, %parallel_loop3A_419 : vector<16xf32>
        %parallel_loop3A_423 = arith.mulf %parallel_loop3A_414, %parallel_loop3A_422 : vector<16xf32>
        %parallel_loop3A_424 = arith.index_cast %parallel_loop3A_190 : i32 to index
        %parallel_loop3A_425 = arith.constant 0 : index
        %parallel_loop3A_426 = tpu.vector_load %arg9[%parallel_loop3A_424, %parallel_loop3A_425] {strides = array<i32>} : memref<64x16xf32, #tpu.memory_space<vmem>>, vector<1x16xf32>,
        %parallel_loop3A_427 = vector.shape_cast %parallel_loop3A_426 : vector<1x16xf32> to vector<16xf32>
        %parallel_loop3A_428 = vector.shape_cast %parallel_loop3A_423 : vector<16xf32> to vector<1x16xf32>
        tpu.vector_store %arg9[%parallel_loop3A_424, %parallel_loop3A_425], %parallel_loop3A_428 {strides = array<i32>} : memref<64x16xf32, #tpu.memory_space<vmem>>, vector<1x16xf32>,
      } {sc.loop_unroll_factor = 4 : i64, sc.parallel_access}
      %parallel_loop3A_172 = arith.constant 0 : i32
      %parallel_loop3A_173 = arith.constant 64 : i32
      %parallel_loop3A_174 = arith.constant 1 : i32
      scf.for %parallel_loop3A_190 = %parallel_loop3A_172 to %parallel_loop3A_173 step %parallel_loop3A_174  : i32 {
        %parallel_loop3A_191 = arith.index_cast %parallel_loop3A_190 : i32 to index
        %parallel_loop3A_192 = arith.constant 0 : index
        %parallel_loop3A_193 = tpu.vector_load %arg9[%parallel_loop3A_191, %parallel_loop3A_192] {strides = array<i32>} : memref<64x16xf32, #tpu.memory_space<vmem>>, vector<1x16xf32>,
        %parallel_loop3A_194 = vector.shape_cast %parallel_loop3A_193 : vector<1x16xf32> to vector<16xf32>
        %parallel_loop3A_195 = arith.addi %mul3A_169, %parallel_loop3A_190 : i32
        %parallel_loop3A_196 = arith.index_cast %parallel_loop3A_195 : i32 to index
        %parallel_loop3A_197 = arith.constant 0 : index
        %parallel_loop3A_198 = tpu.vector_load %arg7[%parallel_loop3A_196, %parallel_loop3A_197] {strides = array<i32>} : memref<256x384xf32, #tpu.memory_space<vmem>>, vector<1x16xf32>,
        %parallel_loop3A_199 = vector.shape_cast %parallel_loop3A_198 : vector<1x16xf32> to vector<16xf32>
        %parallel_loop3A_200 = arith.mulf %get3A_15, %parallel_loop3A_194 : vector<16xf32>
        %parallel_loop3A_201 = arith.mulf %parallel_loop3A_199, %parallel_loop3A_200 : vector<16xf32>
        %parallel_loop3A_202 = arith.addi %mul3A_169, %parallel_loop3A_190 : i32
        %parallel_loop3A_203 = arith.index_cast %parallel_loop3A_202 : i32 to index
        %parallel_loop3A_204 = arith.constant 0 : index
        %parallel_loop3A_205 = tpu.vector_load %arg7[%parallel_loop3A_203, %parallel_loop3A_204] {strides = array<i32>} : memref<256x384xf32, #tpu.memory_space<vmem>>, vector<1x16xf32>,
        %parallel_loop3A_206 = vector.shape_cast %parallel_loop3A_205 : vector<1x16xf32> to vector<16xf32>
        %parallel_loop3A_207 = vector.shape_cast %parallel_loop3A_201 : vector<16xf32> to vector<1x16xf32>
        tpu.vector_store %arg7[%parallel_loop3A_203, %parallel_loop3A_204], %parallel_loop3A_207 {strides = array<i32>} : memref<256x384xf32, #tpu.memory_space<vmem>>, vector<1x16xf32>,
        %parallel_loop3A_208 = arith.addi %mul3A_169, %parallel_loop3A_190 : i32
        %parallel_loop3A_209 = arith.index_cast %parallel_loop3A_208 : i32 to index
        %parallel_loop3A_210 = arith.constant 16 : index
        %parallel_loop3A_211 = tpu.vector_load %arg7[%parallel_loop3A_209, %parallel_loop3A_210] {strides = array<i32>} : memref<256x384xf32, #tpu.memory_space<vmem>>, vector<1x16xf32>,
        %parallel_loop3A_212 = vector.shape_cast %parallel_loop3A_211 : vector<1x16xf32> to vector<16xf32>
        %parallel_loop3A_213 = arith.mulf %get3A_18, %parallel_loop3A_194 : vector<16xf32>
        %parallel_loop3A_214 = arith.mulf %parallel_loop3A_212, %parallel_loop3A_213 : vector<16xf32>
        %parallel_loop3A_215 = arith.addi %mul3A_169, %parallel_loop3A_190 : i32
        %parallel_loop3A_216 = arith.index_cast %parallel_loop3A_215 : i32 to index
        %parallel_loop3A_217 = arith.constant 16 : index
        %parallel_loop3A_218 = tpu.vector_load %arg7[%parallel_loop3A_216, %parallel_loop3A_217] {strides = array<i32>} : memref<256x384xf32, #tpu.memory_space<vmem>>, vector<1x16xf32>,
        %parallel_loop3A_219 = vector.shape_cast %parallel_loop3A_218 : vector<1x16xf32> to vector<16xf32>
        %parallel_loop3A_220 = vector.shape_cast %parallel_loop3A_214 : vector<16xf32> to vector<1x16xf32>
        tpu.vector_store %arg7[%parallel_loop3A_216, %parallel_loop3A_217], %parallel_loop3A_220 {strides = array<i32>} : memref<256x384xf32, #tpu.memory_space<vmem>>, vector<1x16xf32>,
        %parallel_loop3A_221 = arith.addi %mul3A_169, %parallel_loop3A_190 : i32
        %parallel_loop3A_222 = arith.index_cast %parallel_loop3A_221 : i32 to index
        %parallel_loop3A_223 = arith.constant 32 : index
        %parallel_loop3A_224 = tpu.vector_load %arg7[%parallel_loop3A_222, %parallel_loop3A_223] {strides = array<i32>} : memref<256x384xf32, #tpu.memory_space<vmem>>, vector<1x16xf32>,
        %parallel_loop3A_225 = vector.shape_cast %parallel_loop3A_224 : vector<1x16xf32> to vector<16xf32>
        %parallel_loop3A_226 = arith.mulf %get3A_21, %parallel_loop3A_194 : vector<16xf32>
        %parallel_loop3A_227 = arith.mulf %parallel_loop3A_225, %parallel_loop3A_226 : vector<16xf32>
        %parallel_loop3A_228 = arith.addi %mul3A_169, %parallel_loop3A_190 : i32
        %parallel_loop3A_229 = arith.index_cast %parallel_loop3A_228 : i32 to index
        %parallel_loop3A_230 = arith.constant 32 : index
        %parallel_loop3A_231 = tpu.vector_load %arg7[%parallel_loop3A_229, %parallel_loop3A_230] {strides = array<i32>} : memref<256x384xf32, #tpu.memory_space<vmem>>, vector<1x16xf32>,
        %parallel_loop3A_232 = vector.shape_cast %parallel_loop3A_231 : vector<1x16xf32> to vector<16xf32>
        %parallel_loop3A_233 = vector.shape_cast %parallel_loop3A_227 : vector<16xf32> to vector<1x16xf32>
        tpu.vector_store %arg7[%parallel_loop3A_229, %parallel_loop3A_230], %parallel_loop3A_233 {strides = array<i32>} : memref<256x384xf32, #tpu.memory_space<vmem>>, vector<1x16xf32>,
        %parallel_loop3A_234 = arith.addi %mul3A_169, %parallel_loop3A_190 : i32
        %parallel_loop3A_235 = arith.index_cast %parallel_loop3A_234 : i32 to index
        %parallel_loop3A_236 = arith.constant 48 : index
        %parallel_loop3A_237 = tpu.vector_load %arg7[%parallel_loop3A_235, %parallel_loop3A_236] {strides = array<i32>} : memref<256x384xf32, #tpu.memory_space<vmem>>, vector<1x16xf32>,
        %parallel_loop3A_238 = vector.shape_cast %parallel_loop3A_237 : vector<1x16xf32> to vector<16xf32>
        %parallel_loop3A_239 = arith.mulf %get3A_24, %parallel_loop3A_194 : vector<16xf32>
        %parallel_loop3A_240 = arith.mulf %parallel_loop3A_238, %parallel_loop3A_239 : vector<16xf32>
        %parallel_loop3A_241 = arith.addi %mul3A_169, %parallel_loop3A_190 : i32
        %parallel_loop3A_242 = arith.index_cast %parallel_loop3A_241 : i32 to index
        %parallel_loop3A_243 = arith.constant 48 : index
        %parallel_loop3A_244 = tpu.vector_load %arg7[%parallel_loop3A_242, %parallel_loop3A_243] {strides = array<i32>} : memref<256x384xf32, #tpu.memory_space<vmem>>, vector<1x16xf32>,
        %parallel_loop3A_245 = vector.shape_cast %parallel_loop3A_244 : vector<1x16xf32> to vector<16xf32>
        %parallel_loop3A_246 = vector.shape_cast %parallel_loop3A_240 : vector<16xf32> to vector<1x16xf32>
        tpu.vector_store %arg7[%parallel_loop3A_242, %parallel_loop3A_243], %parallel_loop3A_246 {strides = array<i32>} : memref<256x384xf32, #tpu.memory_space<vmem>>, vector<1x16xf32>,
        %parallel_loop3A_247 = arith.addi %mul3A_169, %parallel_loop3A_190 : i32
        %parallel_loop3A_248 = arith.index_cast %parallel_loop3A_247 : i32 to index
        %parallel_loop3A_249 = arith.constant 64 : index
        %parallel_loop3A_250 = tpu.vector_load %arg7[%parallel_loop3A_248, %parallel_loop3A_249] {strides = array<i32>} : memref<256x384xf32, #tpu.memory_space<vmem>>, vector<1x16xf32>,
        %parallel_loop3A_251 = vector.shape_cast %parallel_loop3A_250 : vector<1x16xf32> to vector<16xf32>
        %parallel_loop3A_252 = arith.mulf %get3A_27, %parallel_loop3A_194 : vector<16xf32>
        %parallel_loop3A_253 = arith.mulf %parallel_loop3A_251, %parallel_loop3A_252 : vector<16xf32>
        %parallel_loop3A_254 = arith.addi %mul3A_169, %parallel_loop3A_190 : i32
        %parallel_loop3A_255 = arith.index_cast %parallel_loop3A_254 : i32 to index
        %parallel_loop3A_256 = arith.constant 64 : index
        %parallel_loop3A_257 = tpu.vector_load %arg7[%parallel_loop3A_255, %parallel_loop3A_256] {strides = array<i32>} : memref<256x384xf32, #tpu.memory_space<vmem>>, vector<1x16xf32>,
        %parallel_loop3A_258 = vector.shape_cast %parallel_loop3A_257 : vector<1x16xf32> to vector<16xf32>
        %parallel_loop3A_259 = vector.shape_cast %parallel_loop3A_253 : vector<16xf32> to vector<1x16xf32>
        tpu.vector_store %arg7[%parallel_loop3A_255, %parallel_loop3A_256], %parallel_loop3A_259 {strides = array<i32>} : memref<256x384xf32, #tpu.memory_space<vmem>>, vector<1x16xf32>,
        %parallel_loop3A_260 = arith.addi %mul3A_169, %parallel_loop3A_190 : i32
        %parallel_loop3A_261 = arith.index_cast %parallel_loop3A_260 : i32 to index
        %parallel_loop3A_262 = arith.constant 80 : index
        %parallel_loop3A_263 = tpu.vector_load %arg7[%parallel_loop3A_261, %parallel_loop3A_262] {strides = array<i32>} : memref<256x384xf32, #tpu.memory_space<vmem>>, vector<1x16xf32>,
        %parallel_loop3A_264 = vector.shape_cast %parallel_loop3A_263 : vector<1x16xf32> to vector<16xf32>
        %parallel_loop3A_265 = arith.mulf %get3A_30, %parallel_loop3A_194 : vector<16xf32>
        %parallel_loop3A_266 = arith.mulf %parallel_loop3A_264, %parallel_loop3A_265 : vector<16xf32>
        %parallel_loop3A_267 = arith.addi %mul3A_169, %parallel_loop3A_190 : i32
        %parallel_loop3A_268 = arith.index_cast %parallel_loop3A_267 : i32 to index
        %parallel_loop3A_269 = arith.constant 80 : index
        %parallel_loop3A_270 = tpu.vector_load %arg7[%parallel_loop3A_268, %parallel_loop3A_269] {strides = array<i32>} : memref<256x384xf32, #tpu.memory_space<vmem>>, vector<1x16xf32>,
        %parallel_loop3A_271 = vector.shape_cast %parallel_loop3A_270 : vector<1x16xf32> to vector<16xf32>
        %parallel_loop3A_272 = vector.shape_cast %parallel_loop3A_266 : vector<16xf32> to vector<1x16xf32>
        tpu.vector_store %arg7[%parallel_loop3A_268, %parallel_loop3A_269], %parallel_loop3A_272 {strides = array<i32>} : memref<256x384xf32, #tpu.memory_space<vmem>>, vector<1x16xf32>,
        %parallel_loop3A_273 = arith.addi %mul3A_169, %parallel_loop3A_190 : i32
        %parallel_loop3A_274 = arith.index_cast %parallel_loop3A_273 : i32 to index
        %parallel_loop3A_275 = arith.constant 96 : index
        %parallel_loop3A_276 = tpu.vector_load %arg7[%parallel_loop3A_274, %parallel_loop3A_275] {strides = array<i32>} : memref<256x384xf32, #tpu.memory_space<vmem>>, vector<1x16xf32>,
        %parallel_loop3A_277 = vector.shape_cast %parallel_loop3A_276 : vector<1x16xf32> to vector<16xf32>
        %parallel_loop3A_278 = arith.mulf %get3A_33, %parallel_loop3A_194 : vector<16xf32>
        %parallel_loop3A_279 = arith.mulf %parallel_loop3A_277, %parallel_loop3A_278 : vector<16xf32>
        %parallel_loop3A_280 = arith.addi %mul3A_169, %parallel_loop3A_190 : i32
        %parallel_loop3A_281 = arith.index_cast %parallel_loop3A_280 : i32 to index
        %parallel_loop3A_282 = arith.constant 96 : index
        %parallel_loop3A_283 = tpu.vector_load %arg7[%parallel_loop3A_281, %parallel_loop3A_282] {strides = array<i32>} : memref<256x384xf32, #tpu.memory_space<vmem>>, vector<1x16xf32>,
        %parallel_loop3A_284 = vector.shape_cast %parallel_loop3A_283 : vector<1x16xf32> to vector<16xf32>
        %parallel_loop3A_285 = vector.shape_cast %parallel_loop3A_279 : vector<16xf32> to vector<1x16xf32>
        tpu.vector_store %arg7[%parallel_loop3A_281, %parallel_loop3A_282], %parallel_loop3A_285 {strides = array<i32>} : memref<256x384xf32, #tpu.memory_space<vmem>>, vector<1x16xf32>,
        %parallel_loop3A_286 = arith.addi %mul3A_169, %parallel_loop3A_190 : i32
        %parallel_loop3A_287 = arith.index_cast %parallel_loop3A_286 : i32 to index
        %parallel_loop3A_288 = arith.constant 112 : index
        %parallel_loop3A_289 = tpu.vector_load %arg7[%parallel_loop3A_287, %parallel_loop3A_288] {strides = array<i32>} : memref<256x384xf32, #tpu.memory_space<vmem>>, vector<1x16xf32>,
        %parallel_loop3A_290 = vector.shape_cast %parallel_loop3A_289 : vector<1x16xf32> to vector<16xf32>
        %parallel_loop3A_291 = arith.mulf %get3A_36, %parallel_loop3A_194 : vector<16xf32>
        %parallel_loop3A_292 = arith.mulf %parallel_loop3A_290, %parallel_loop3A_291 : vector<16xf32>
        %parallel_loop3A_293 = arith.addi %mul3A_169, %parallel_loop3A_190 : i32
        %parallel_loop3A_294 = arith.index_cast %parallel_loop3A_293 : i32 to index
        %parallel_loop3A_295 = arith.constant 112 : index
        %parallel_loop3A_296 = tpu.vector_load %arg7[%parallel_loop3A_294, %parallel_loop3A_295] {strides = array<i32>} : memref<256x384xf32, #tpu.memory_space<vmem>>, vector<1x16xf32>,
        %parallel_loop3A_297 = vector.shape_cast %parallel_loop3A_296 : vector<1x16xf32> to vector<16xf32>
        %parallel_loop3A_298 = vector.shape_cast %parallel_loop3A_292 : vector<16xf32> to vector<1x16xf32>
        tpu.vector_store %arg7[%parallel_loop3A_294, %parallel_loop3A_295], %parallel_loop3A_298 {strides = array<i32>} : memref<256x384xf32, #tpu.memory_space<vmem>>, vector<1x16xf32>,
        %parallel_loop3A_299 = arith.addi %mul3A_169, %parallel_loop3A_190 : i32
        %parallel_loop3A_300 = arith.index_cast %parallel_loop3A_299 : i32 to index
        %parallel_loop3A_301 = arith.constant 128 : index
        %parallel_loop3A_302 = tpu.vector_load %arg7[%parallel_loop3A_300, %parallel_loop3A_301] {strides = array<i32>} : memref<256x384xf32, #tpu.memory_space<vmem>>, vector<1x16xf32>,
        %parallel_loop3A_303 = vector.shape_cast %parallel_loop3A_302 : vector<1x16xf32> to vector<16xf32>
        %parallel_loop3A_304 = arith.mulf %get3A_39, %parallel_loop3A_194 : vector<16xf32>
        %parallel_loop3A_305 = arith.mulf %parallel_loop3A_303, %parallel_loop3A_304 : vector<16xf32>
        %parallel_loop3A_306 = arith.addi %mul3A_169, %parallel_loop3A_190 : i32
        %parallel_loop3A_307 = arith.index_cast %parallel_loop3A_306 : i32 to index
        %parallel_loop3A_308 = arith.constant 128 : index
        %parallel_loop3A_309 = tpu.vector_load %arg7[%parallel_loop3A_307, %parallel_loop3A_308] {strides = array<i32>} : memref<256x384xf32, #tpu.memory_space<vmem>>, vector<1x16xf32>,
        %parallel_loop3A_310 = vector.shape_cast %parallel_loop3A_309 : vector<1x16xf32> to vector<16xf32>
        %parallel_loop3A_311 = vector.shape_cast %parallel_loop3A_305 : vector<16xf32> to vector<1x16xf32>
        tpu.vector_store %arg7[%parallel_loop3A_307, %parallel_loop3A_308], %parallel_loop3A_311 {strides = array<i32>} : memref<256x384xf32, #tpu.memory_space<vmem>>, vector<1x16xf32>,
        %parallel_loop3A_312 = arith.addi %mul3A_169, %parallel_loop3A_190 : i32
        %parallel_loop3A_313 = arith.index_cast %parallel_loop3A_312 : i32 to index
        %parallel_loop3A_314 = arith.constant 144 : index
        %parallel_loop3A_315 = tpu.vector_load %arg7[%parallel_loop3A_313, %parallel_loop3A_314] {strides = array<i32>} : memref<256x384xf32, #tpu.memory_space<vmem>>, vector<1x16xf32>,
        %parallel_loop3A_316 = vector.shape_cast %parallel_loop3A_315 : vector<1x16xf32> to vector<16xf32>
        %parallel_loop3A_317 = arith.mulf %get3A_42, %parallel_loop3A_194 : vector<16xf32>
        %parallel_loop3A_318 = arith.mulf %parallel_loop3A_316, %parallel_loop3A_317 : vector<16xf32>
        %parallel_loop3A_319 = arith.addi %mul3A_169, %parallel_loop3A_190 : i32
        %parallel_loop3A_320 = arith.index_cast %parallel_loop3A_319 : i32 to index
        %parallel_loop3A_321 = arith.constant 144 : index
        %parallel_loop3A_322 = tpu.vector_load %arg7[%parallel_loop3A_320, %parallel_loop3A_321] {strides = array<i32>} : memref<256x384xf32, #tpu.memory_space<vmem>>, vector<1x16xf32>,
        %parallel_loop3A_323 = vector.shape_cast %parallel_loop3A_322 : vector<1x16xf32> to vector<16xf32>
        %parallel_loop3A_324 = vector.shape_cast %parallel_loop3A_318 : vector<16xf32> to vector<1x16xf32>
        tpu.vector_store %arg7[%parallel_loop3A_320, %parallel_loop3A_321], %parallel_loop3A_324 {strides = array<i32>} : memref<256x384xf32, #tpu.memory_space<vmem>>, vector<1x16xf32>,
        %parallel_loop3A_325 = arith.addi %mul3A_169, %parallel_loop3A_190 : i32
        %parallel_loop3A_326 = arith.index_cast %parallel_loop3A_325 : i32 to index
        %parallel_loop3A_327 = arith.constant 160 : index
        %parallel_loop3A_328 = tpu.vector_load %arg7[%parallel_loop3A_326, %parallel_loop3A_327] {strides = array<i32>} : memref<256x384xf32, #tpu.memory_space<vmem>>, vector<1x16xf32>,
        %parallel_loop3A_329 = vector.shape_cast %parallel_loop3A_328 : vector<1x16xf32> to vector<16xf32>
        %parallel_loop3A_330 = arith.mulf %get3A_45, %parallel_loop3A_194 : vector<16xf32>
        %parallel_loop3A_331 = arith.mulf %parallel_loop3A_329, %parallel_loop3A_330 : vector<16xf32>
        %parallel_loop3A_332 = arith.addi %mul3A_169, %parallel_loop3A_190 : i32
        %parallel_loop3A_333 = arith.index_cast %parallel_loop3A_332 : i32 to index
        %parallel_loop3A_334 = arith.constant 160 : index
        %parallel_loop3A_335 = tpu.vector_load %arg7[%parallel_loop3A_333, %parallel_loop3A_334] {strides = array<i32>} : memref<256x384xf32, #tpu.memory_space<vmem>>, vector<1x16xf32>,
        %parallel_loop3A_336 = vector.shape_cast %parallel_loop3A_335 : vector<1x16xf32> to vector<16xf32>
        %parallel_loop3A_337 = vector.shape_cast %parallel_loop3A_331 : vector<16xf32> to vector<1x16xf32>
        tpu.vector_store %arg7[%parallel_loop3A_333, %parallel_loop3A_334], %parallel_loop3A_337 {strides = array<i32>} : memref<256x384xf32, #tpu.memory_space<vmem>>, vector<1x16xf32>,
        %parallel_loop3A_338 = arith.addi %mul3A_169, %parallel_loop3A_190 : i32
        %parallel_loop3A_339 = arith.index_cast %parallel_loop3A_338 : i32 to index
        %parallel_loop3A_340 = arith.constant 176 : index
        %parallel_loop3A_341 = tpu.vector_load %arg7[%parallel_loop3A_339, %parallel_loop3A_340] {strides = array<i32>} : memref<256x384xf32, #tpu.memory_space<vmem>>, vector<1x16xf32>,
        %parallel_loop3A_342 = vector.shape_cast %parallel_loop3A_341 : vector<1x16xf32> to vector<16xf32>
        %parallel_loop3A_343 = arith.mulf %get3A_48, %parallel_loop3A_194 : vector<16xf32>
        %parallel_loop3A_344 = arith.mulf %parallel_loop3A_342, %parallel_loop3A_343 : vector<16xf32>
        %parallel_loop3A_345 = arith.addi %mul3A_169, %parallel_loop3A_190 : i32
        %parallel_loop3A_346 = arith.index_cast %parallel_loop3A_345 : i32 to index
        %parallel_loop3A_347 = arith.constant 176 : index
        %parallel_loop3A_348 = tpu.vector_load %arg7[%parallel_loop3A_346, %parallel_loop3A_347] {strides = array<i32>} : memref<256x384xf32, #tpu.memory_space<vmem>>, vector<1x16xf32>,
        %parallel_loop3A_349 = vector.shape_cast %parallel_loop3A_348 : vector<1x16xf32> to vector<16xf32>
        %parallel_loop3A_350 = vector.shape_cast %parallel_loop3A_344 : vector<16xf32> to vector<1x16xf32>
        tpu.vector_store %arg7[%parallel_loop3A_346, %parallel_loop3A_347], %parallel_loop3A_350 {strides = array<i32>} : memref<256x384xf32, #tpu.memory_space<vmem>>, vector<1x16xf32>,
        %parallel_loop3A_351 = arith.addi %mul3A_169, %parallel_loop3A_190 : i32
        %parallel_loop3A_352 = arith.index_cast %parallel_loop3A_351 : i32 to index
        %parallel_loop3A_353 = arith.constant 192 : index
        %parallel_loop3A_354 = tpu.vector_load %arg7[%parallel_loop3A_352, %parallel_loop3A_353] {strides = array<i32>} : memref<256x384xf32, #tpu.memory_space<vmem>>, vector<1x16xf32>,
        %parallel_loop3A_355 = vector.shape_cast %parallel_loop3A_354 : vector<1x16xf32> to vector<16xf32>
        %parallel_loop3A_356 = arith.mulf %get3A_51, %parallel_loop3A_194 : vector<16xf32>
        %parallel_loop3A_357 = arith.mulf %parallel_loop3A_355, %parallel_loop3A_356 : vector<16xf32>
        %parallel_loop3A_358 = arith.addi %mul3A_169, %parallel_loop3A_190 : i32
        %parallel_loop3A_359 = arith.index_cast %parallel_loop3A_358 : i32 to index
        %parallel_loop3A_360 = arith.constant 192 : index
        %parallel_loop3A_361 = tpu.vector_load %arg7[%parallel_loop3A_359, %parallel_loop3A_360] {strides = array<i32>} : memref<256x384xf32, #tpu.memory_space<vmem>>, vector<1x16xf32>,
        %parallel_loop3A_362 = vector.shape_cast %parallel_loop3A_361 : vector<1x16xf32> to vector<16xf32>
        %parallel_loop3A_363 = vector.shape_cast %parallel_loop3A_357 : vector<16xf32> to vector<1x16xf32>
        tpu.vector_store %arg7[%parallel_loop3A_359, %parallel_loop3A_360], %parallel_loop3A_363 {strides = array<i32>} : memref<256x384xf32, #tpu.memory_space<vmem>>, vector<1x16xf32>,
        %parallel_loop3A_364 = arith.addi %mul3A_169, %parallel_loop3A_190 : i32
        %parallel_loop3A_365 = arith.index_cast %parallel_loop3A_364 : i32 to index
        %parallel_loop3A_366 = arith.constant 208 : index
        %parallel_loop3A_367 = tpu.vector_load %arg7[%parallel_loop3A_365, %parallel_loop3A_366] {strides = array<i32>} : memref<256x384xf32, #tpu.memory_space<vmem>>, vector<1x16xf32>,
        %parallel_loop3A_368 = vector.shape_cast %parallel_loop3A_367 : vector<1x16xf32> to vector<16xf32>
        %parallel_loop3A_369 = arith.mulf %get3A_54, %parallel_loop3A_194 : vector<16xf32>
        %parallel_loop3A_370 = arith.mulf %parallel_loop3A_368, %parallel_loop3A_369 : vector<16xf32>
        %parallel_loop3A_371 = arith.addi %mul3A_169, %parallel_loop3A_190 : i32
        %parallel_loop3A_372 = arith.index_cast %parallel_loop3A_371 : i32 to index
        %parallel_loop3A_373 = arith.constant 208 : index
        %parallel_loop3A_374 = tpu.vector_load %arg7[%parallel_loop3A_372, %parallel_loop3A_373] {strides = array<i32>} : memref<256x384xf32, #tpu.memory_space<vmem>>, vector<1x16xf32>,
        %parallel_loop3A_375 = vector.shape_cast %parallel_loop3A_374 : vector<1x16xf32> to vector<16xf32>
        %parallel_loop3A_376 = vector.shape_cast %parallel_loop3A_370 : vector<16xf32> to vector<1x16xf32>
        tpu.vector_store %arg7[%parallel_loop3A_372, %parallel_loop3A_373], %parallel_loop3A_376 {strides = array<i32>} : memref<256x384xf32, #tpu.memory_space<vmem>>, vector<1x16xf32>,
        %parallel_loop3A_377 = arith.addi %mul3A_169, %parallel_loop3A_190 : i32
        %parallel_loop3A_378 = arith.index_cast %parallel_loop3A_377 : i32 to index
        %parallel_loop3A_379 = arith.constant 224 : index
        %parallel_loop3A_380 = tpu.vector_load %arg7[%parallel_loop3A_378, %parallel_loop3A_379] {strides = array<i32>} : memref<256x384xf32, #tpu.memory_space<vmem>>, vector<1x16xf32>,
        %parallel_loop3A_381 = vector.shape_cast %parallel_loop3A_380 : vector<1x16xf32> to vector<16xf32>
        %parallel_loop3A_382 = arith.mulf %get3A_57, %parallel_loop3A_194 : vector<16xf32>
        %parallel_loop3A_383 = arith.mulf %parallel_loop3A_381, %parallel_loop3A_382 : vector<16xf32>
        %parallel_loop3A_384 = arith.addi %mul3A_169, %parallel_loop3A_190 : i32
        %parallel_loop3A_385 = arith.index_cast %parallel_loop3A_384 : i32 to index
        %parallel_loop3A_386 = arith.constant 224 : index
        %parallel_loop3A_387 = tpu.vector_load %arg7[%parallel_loop3A_385, %parallel_loop3A_386] {strides = array<i32>} : memref<256x384xf32, #tpu.memory_space<vmem>>, vector<1x16xf32>,
        %parallel_loop3A_388 = vector.shape_cast %parallel_loop3A_387 : vector<1x16xf32> to vector<16xf32>
        %parallel_loop3A_389 = vector.shape_cast %parallel_loop3A_383 : vector<16xf32> to vector<1x16xf32>
        tpu.vector_store %arg7[%parallel_loop3A_385, %parallel_loop3A_386], %parallel_loop3A_389 {strides = array<i32>} : memref<256x384xf32, #tpu.memory_space<vmem>>, vector<1x16xf32>,
        %parallel_loop3A_390 = arith.addi %mul3A_169, %parallel_loop3A_190 : i32
        %parallel_loop3A_391 = arith.index_cast %parallel_loop3A_390 : i32 to index
        %parallel_loop3A_392 = arith.constant 240 : index
        %parallel_loop3A_393 = tpu.vector_load %arg7[%parallel_loop3A_391, %parallel_loop3A_392] {strides = array<i32>} : memref<256x384xf32, #tpu.memory_space<vmem>>, vector<1x16xf32>,
        %parallel_loop3A_394 = vector.shape_cast %parallel_loop3A_393 : vector<1x16xf32> to vector<16xf32>
        %parallel_loop3A_395 = arith.mulf %get3A_60, %parallel_loop3A_194 : vector<16xf32>
        %parallel_loop3A_396 = arith.mulf %parallel_loop3A_394, %parallel_loop3A_395 : vector<16xf32>
        %parallel_loop3A_397 = arith.addi %mul3A_169, %parallel_loop3A_190 : i32
        %parallel_loop3A_398 = arith.index_cast %parallel_loop3A_397 : i32 to index
        %parallel_loop3A_399 = arith.constant 240 : index
        %parallel_loop3A_400 = tpu.vector_load %arg7[%parallel_loop3A_398, %parallel_loop3A_399] {strides = array<i32>} : memref<256x384xf32, #tpu.memory_space<vmem>>, vector<1x16xf32>,
        %parallel_loop3A_401 = vector.shape_cast %parallel_loop3A_400 : vector<1x16xf32> to vector<16xf32>
        %parallel_loop3A_402 = vector.shape_cast %parallel_loop3A_396 : vector<16xf32> to vector<1x16xf32>
        tpu.vector_store %arg7[%parallel_loop3A_398, %parallel_loop3A_399], %parallel_loop3A_402 {strides = array<i32>} : memref<256x384xf32, #tpu.memory_space<vmem>>, vector<1x16xf32>,
        %parallel_loop3A_403 = arith.addi %mul3A_169, %parallel_loop3A_190 : i32
        %parallel_loop3A_404 = arith.index_cast %parallel_loop3A_403 : i32 to index
        %parallel_loop3A_405 = arith.constant 256 : index
        %parallel_loop3A_406 = tpu.vector_load %arg7[%parallel_loop3A_404, %parallel_loop3A_405] {strides = array<i32>} : memref<256x384xf32, #tpu.memory_space<vmem>>, vector<1x16xf32>,
        %parallel_loop3A_407 = vector.shape_cast %parallel_loop3A_406 : vector<1x16xf32> to vector<16xf32>
        %parallel_loop3A_408 = arith.mulf %get3A_63, %parallel_loop3A_194 : vector<16xf32>
        %parallel_loop3A_409 = arith.mulf %parallel_loop3A_407, %parallel_loop3A_408 : vector<16xf32>
        %parallel_loop3A_410 = arith.addi %mul3A_169, %parallel_loop3A_190 : i32
        %parallel_loop3A_411 = arith.index_cast %parallel_loop3A_410 : i32 to index
        %parallel_loop3A_412 = arith.constant 256 : index
        %parallel_loop3A_413 = tpu.vector_load %arg7[%parallel_loop3A_411, %parallel_loop3A_412] {strides = array<i32>} : memref<256x384xf32, #tpu.memory_space<vmem>>, vector<1x16xf32>,
        %parallel_loop3A_414 = vector.shape_cast %parallel_loop3A_413 : vector<1x16xf32> to vector<16xf32>
        %parallel_loop3A_415 = vector.shape_cast %parallel_loop3A_409 : vector<16xf32> to vector<1x16xf32>
        tpu.vector_store %arg7[%parallel_loop3A_411, %parallel_loop3A_412], %parallel_loop3A_415 {strides = array<i32>} : memref<256x384xf32, #tpu.memory_space<vmem>>, vector<1x16xf32>,
        %parallel_loop3A_416 = arith.addi %mul3A_169, %parallel_loop3A_190 : i32
        %parallel_loop3A_417 = arith.index_cast %parallel_loop3A_416 : i32 to index
        %parallel_loop3A_418 = arith.constant 272 : index
        %parallel_loop3A_419 = tpu.vector_load %arg7[%parallel_loop3A_417, %parallel_loop3A_418] {strides = array<i32>} : memref<256x384xf32, #tpu.memory_space<vmem>>, vector<1x16xf32>,
        %parallel_loop3A_420 = vector.shape_cast %parallel_loop3A_419 : vector<1x16xf32> to vector<16xf32>
        %parallel_loop3A_421 = arith.mulf %get3A_66, %parallel_loop3A_194 : vector<16xf32>
        %parallel_loop3A_422 = arith.mulf %parallel_loop3A_420, %parallel_loop3A_421 : vector<16xf32>
        %parallel_loop3A_423 = arith.addi %mul3A_169, %parallel_loop3A_190 : i32
        %parallel_loop3A_424 = arith.index_cast %parallel_loop3A_423 : i32 to index
        %parallel_loop3A_425 = arith.constant 272 : index
        %parallel_loop3A_426 = tpu.vector_load %arg7[%parallel_loop3A_424, %parallel_loop3A_425] {strides = array<i32>} : memref<256x384xf32, #tpu.memory_space<vmem>>, vector<1x16xf32>,
        %parallel_loop3A_427 = vector.shape_cast %parallel_loop3A_426 : vector<1x16xf32> to vector<16xf32>
        %parallel_loop3A_428 = vector.shape_cast %parallel_loop3A_422 : vector<16xf32> to vector<1x16xf32>
        tpu.vector_store %arg7[%parallel_loop3A_424, %parallel_loop3A_425], %parallel_loop3A_428 {strides = array<i32>} : memref<256x384xf32, #tpu.memory_space<vmem>>, vector<1x16xf32>,
        %parallel_loop3A_429 = arith.addi %mul3A_169, %parallel_loop3A_190 : i32
        %parallel_loop3A_430 = arith.index_cast %parallel_loop3A_429 : i32 to index
        %parallel_loop3A_431 = arith.constant 288 : index
        %parallel_loop3A_432 = tpu.vector_load %arg7[%parallel_loop3A_430, %parallel_loop3A_431] {strides = array<i32>} : memref<256x384xf32, #tpu.memory_space<vmem>>, vector<1x16xf32>,
        %parallel_loop3A_433 = vector.shape_cast %parallel_loop3A_432 : vector<1x16xf32> to vector<16xf32>
        %parallel_loop3A_434 = arith.mulf %get3A_69, %parallel_loop3A_194 : vector<16xf32>
        %parallel_loop3A_435 = arith.mulf %parallel_loop3A_433, %parallel_loop3A_434 : vector<16xf32>
        %parallel_loop3A_436 = arith.addi %mul3A_169, %parallel_loop3A_190 : i32
        %parallel_loop3A_437 = arith.index_cast %parallel_loop3A_436 : i32 to index
        %parallel_loop3A_438 = arith.constant 288 : index
        %parallel_loop3A_439 = tpu.vector_load %arg7[%parallel_loop3A_437, %parallel_loop3A_438] {strides = array<i32>} : memref<256x384xf32, #tpu.memory_space<vmem>>, vector<1x16xf32>,
        %parallel_loop3A_440 = vector.shape_cast %parallel_loop3A_439 : vector<1x16xf32> to vector<16xf32>
        %parallel_loop3A_441 = vector.shape_cast %parallel_loop3A_435 : vector<16xf32> to vector<1x16xf32>
        tpu.vector_store %arg7[%parallel_loop3A_437, %parallel_loop3A_438], %parallel_loop3A_441 {strides = array<i32>} : memref<256x384xf32, #tpu.memory_space<vmem>>, vector<1x16xf32>,
        %parallel_loop3A_442 = arith.addi %mul3A_169, %parallel_loop3A_190 : i32
        %parallel_loop3A_443 = arith.index_cast %parallel_loop3A_442 : i32 to index
        %parallel_loop3A_444 = arith.constant 304 : index
        %parallel_loop3A_445 = tpu.vector_load %arg7[%parallel_loop3A_443, %parallel_loop3A_444] {strides = array<i32>} : memref<256x384xf32, #tpu.memory_space<vmem>>, vector<1x16xf32>,
        %parallel_loop3A_446 = vector.shape_cast %parallel_loop3A_445 : vector<1x16xf32> to vector<16xf32>
        %parallel_loop3A_447 = arith.mulf %get3A_72, %parallel_loop3A_194 : vector<16xf32>
        %parallel_loop3A_448 = arith.mulf %parallel_loop3A_446, %parallel_loop3A_447 : vector<16xf32>
        %parallel_loop3A_449 = arith.addi %mul3A_169, %parallel_loop3A_190 : i32
        %parallel_loop3A_450 = arith.index_cast %parallel_loop3A_449 : i32 to index
        %parallel_loop3A_451 = arith.constant 304 : index
        %parallel_loop3A_452 = tpu.vector_load %arg7[%parallel_loop3A_450, %parallel_loop3A_451] {strides = array<i32>} : memref<256x384xf32, #tpu.memory_space<vmem>>, vector<1x16xf32>,
        %parallel_loop3A_453 = vector.shape_cast %parallel_loop3A_452 : vector<1x16xf32> to vector<16xf32>
        %parallel_loop3A_454 = vector.shape_cast %parallel_loop3A_448 : vector<16xf32> to vector<1x16xf32>
        tpu.vector_store %arg7[%parallel_loop3A_450, %parallel_loop3A_451], %parallel_loop3A_454 {strides = array<i32>} : memref<256x384xf32, #tpu.memory_space<vmem>>, vector<1x16xf32>,
        %parallel_loop3A_455 = arith.addi %mul3A_169, %parallel_loop3A_190 : i32
        %parallel_loop3A_456 = arith.index_cast %parallel_loop3A_455 : i32 to index
        %parallel_loop3A_457 = arith.constant 320 : index
        %parallel_loop3A_458 = tpu.vector_load %arg7[%parallel_loop3A_456, %parallel_loop3A_457] {strides = array<i32>} : memref<256x384xf32, #tpu.memory_space<vmem>>, vector<1x16xf32>,
        %parallel_loop3A_459 = vector.shape_cast %parallel_loop3A_458 : vector<1x16xf32> to vector<16xf32>
        %parallel_loop3A_460 = arith.mulf %get3A_75, %parallel_loop3A_194 : vector<16xf32>
        %parallel_loop3A_461 = arith.mulf %parallel_loop3A_459, %parallel_loop3A_460 : vector<16xf32>
        %parallel_loop3A_462 = arith.addi %mul3A_169, %parallel_loop3A_190 : i32
        %parallel_loop3A_463 = arith.index_cast %parallel_loop3A_462 : i32 to index
        %parallel_loop3A_464 = arith.constant 320 : index
        %parallel_loop3A_465 = tpu.vector_load %arg7[%parallel_loop3A_463, %parallel_loop3A_464] {strides = array<i32>} : memref<256x384xf32, #tpu.memory_space<vmem>>, vector<1x16xf32>,
        %parallel_loop3A_466 = vector.shape_cast %parallel_loop3A_465 : vector<1x16xf32> to vector<16xf32>
        %parallel_loop3A_467 = vector.shape_cast %parallel_loop3A_461 : vector<16xf32> to vector<1x16xf32>
        tpu.vector_store %arg7[%parallel_loop3A_463, %parallel_loop3A_464], %parallel_loop3A_467 {strides = array<i32>} : memref<256x384xf32, #tpu.memory_space<vmem>>, vector<1x16xf32>,
        %parallel_loop3A_468 = arith.addi %mul3A_169, %parallel_loop3A_190 : i32
        %parallel_loop3A_469 = arith.index_cast %parallel_loop3A_468 : i32 to index
        %parallel_loop3A_470 = arith.constant 336 : index
        %parallel_loop3A_471 = tpu.vector_load %arg7[%parallel_loop3A_469, %parallel_loop3A_470] {strides = array<i32>} : memref<256x384xf32, #tpu.memory_space<vmem>>, vector<1x16xf32>,
        %parallel_loop3A_472 = vector.shape_cast %parallel_loop3A_471 : vector<1x16xf32> to vector<16xf32>
        %parallel_loop3A_473 = arith.mulf %get3A_78, %parallel_loop3A_194 : vector<16xf32>
        %parallel_loop3A_474 = arith.mulf %parallel_loop3A_472, %parallel_loop3A_473 : vector<16xf32>
        %parallel_loop3A_475 = arith.addi %mul3A_169, %parallel_loop3A_190 : i32
        %parallel_loop3A_476 = arith.index_cast %parallel_loop3A_475 : i32 to index
        %parallel_loop3A_477 = arith.constant 336 : index
        %parallel_loop3A_478 = tpu.vector_load %arg7[%parallel_loop3A_476, %parallel_loop3A_477] {strides = array<i32>} : memref<256x384xf32, #tpu.memory_space<vmem>>, vector<1x16xf32>,
        %parallel_loop3A_479 = vector.shape_cast %parallel_loop3A_478 : vector<1x16xf32> to vector<16xf32>
        %parallel_loop3A_480 = vector.shape_cast %parallel_loop3A_474 : vector<16xf32> to vector<1x16xf32>
        tpu.vector_store %arg7[%parallel_loop3A_476, %parallel_loop3A_477], %parallel_loop3A_480 {strides = array<i32>} : memref<256x384xf32, #tpu.memory_space<vmem>>, vector<1x16xf32>,
        %parallel_loop3A_481 = arith.addi %mul3A_169, %parallel_loop3A_190 : i32
        %parallel_loop3A_482 = arith.index_cast %parallel_loop3A_481 : i32 to index
        %parallel_loop3A_483 = arith.constant 352 : index
        %parallel_loop3A_484 = tpu.vector_load %arg7[%parallel_loop3A_482, %parallel_loop3A_483] {strides = array<i32>} : memref<256x384xf32, #tpu.memory_space<vmem>>, vector<1x16xf32>,
        %parallel_loop3A_485 = vector.shape_cast %parallel_loop3A_484 : vector<1x16xf32> to vector<16xf32>
        %parallel_loop3A_486 = arith.mulf %get3A_81, %parallel_loop3A_194 : vector<16xf32>
        %parallel_loop3A_487 = arith.mulf %parallel_loop3A_485, %parallel_loop3A_486 : vector<16xf32>
        %parallel_loop3A_488 = arith.addi %mul3A_169, %parallel_loop3A_190 : i32
        %parallel_loop3A_489 = arith.index_cast %parallel_loop3A_488 : i32 to index
        %parallel_loop3A_490 = arith.constant 352 : index
        %parallel_loop3A_491 = tpu.vector_load %arg7[%parallel_loop3A_489, %parallel_loop3A_490] {strides = array<i32>} : memref<256x384xf32, #tpu.memory_space<vmem>>, vector<1x16xf32>,
        %parallel_loop3A_492 = vector.shape_cast %parallel_loop3A_491 : vector<1x16xf32> to vector<16xf32>
        %parallel_loop3A_493 = vector.shape_cast %parallel_loop3A_487 : vector<16xf32> to vector<1x16xf32>
        tpu.vector_store %arg7[%parallel_loop3A_489, %parallel_loop3A_490], %parallel_loop3A_493 {strides = array<i32>} : memref<256x384xf32, #tpu.memory_space<vmem>>, vector<1x16xf32>,
        %parallel_loop3A_494 = arith.addi %mul3A_169, %parallel_loop3A_190 : i32
        %parallel_loop3A_495 = arith.index_cast %parallel_loop3A_494 : i32 to index
        %parallel_loop3A_496 = arith.constant 368 : index
        %parallel_loop3A_497 = tpu.vector_load %arg7[%parallel_loop3A_495, %parallel_loop3A_496] {strides = array<i32>} : memref<256x384xf32, #tpu.memory_space<vmem>>, vector<1x16xf32>,
        %parallel_loop3A_498 = vector.shape_cast %parallel_loop3A_497 : vector<1x16xf32> to vector<16xf32>
        %parallel_loop3A_499 = arith.mulf %get3A_84, %parallel_loop3A_194 : vector<16xf32>
        %parallel_loop3A_500 = arith.mulf %parallel_loop3A_498, %parallel_loop3A_499 : vector<16xf32>
        %parallel_loop3A_501 = arith.addi %mul3A_169, %parallel_loop3A_190 : i32
        %parallel_loop3A_502 = arith.index_cast %parallel_loop3A_501 : i32 to index
        %parallel_loop3A_503 = arith.constant 368 : index
        %parallel_loop3A_504 = tpu.vector_load %arg7[%parallel_loop3A_502, %parallel_loop3A_503] {strides = array<i32>} : memref<256x384xf32, #tpu.memory_space<vmem>>, vector<1x16xf32>,
        %parallel_loop3A_505 = vector.shape_cast %parallel_loop3A_504 : vector<1x16xf32> to vector<16xf32>
        %parallel_loop3A_506 = vector.shape_cast %parallel_loop3A_500 : vector<16xf32> to vector<1x16xf32>
        tpu.vector_store %arg7[%parallel_loop3A_502, %parallel_loop3A_503], %parallel_loop3A_506 {strides = array<i32>} : memref<256x384xf32, #tpu.memory_space<vmem>>, vector<1x16xf32>,
      } {sc.loop_unroll_factor = 4 : i64, sc.parallel_access}
      %mul3A_175 = arith.constant 64 : i32
      %mul3A_176 = arith.muli %rem3A_141, %mul3A_175 : i32
      %mul3A_177 = arith.constant 64 : i32
      %mul3A_178 = arith.muli %scan3A_139, %mul3A_177 : i32
      %add3A_179 = arith.addi %mul3A_2, %mul3A_178 : i32
      %dma_start3A_180 = arith.constant 0 : i32
      %dma_start3A_181 = tpu.memref_slice %arg7[%mul3A_176, %dma_start3A_180] : memref<256x384xf32, #tpu.memory_space<vmem>> -> memref<64x384xf32, #tpu.memory_space<vmem>>
      %dma_start3A_182 = arith.constant 0 : i32
      %dma_start3A_183 = tpu.memref_slice %arg5[%add3A_179, %dma_start3A_182] : memref<32768x384xf32, #tpu.memory_space<hbm>> -> memref<64x384xf32, #tpu.memory_space<hbm>>
      %dma_start3A_184 = tpu.memref_slice %arg11[%rem3A_141] : memref<4x!tpu.dma_semaphore, #tpu.memory_space<semaphore_mem>> -> memref<1x!tpu.dma_semaphore, #tpu.memory_space<semaphore_mem>>
      %dma_start3A_185 = tpu.memref_squeeze %dma_start3A_184 : memref<1x!tpu.dma_semaphore, #tpu.memory_space<semaphore_mem>> -> memref<!tpu.dma_semaphore, #tpu.memory_space<semaphore_mem>>
      %dma_start3A_186 = arith.constant 0 : i32
      %dma_start3A_187 = tpu.memref_slice %arg5[%add3A_179, %dma_start3A_186] : memref<32768x384xf32, #tpu.memory_space<hbm>> -> memref<64x384xf32, #tpu.memory_space<hbm>>
      %dma_start3A_188 = arith.constant 0 : i32
      %dma_start3A_189 = tpu.memref_slice %arg7[%mul3A_176, %dma_start3A_188] : memref<256x384xf32, #tpu.memory_space<vmem>> -> memref<64x384xf32, #tpu.memory_space<vmem>>
      tpu.enqueue_dma source(%dma_start3A_189 : memref<64x384xf32, #tpu.memory_space<vmem>>) target(%dma_start3A_187 : memref<64x384xf32, #tpu.memory_space<hbm>>) target_semaphore(%dma_start3A_185 : memref<!tpu.dma_semaphore, #tpu.memory_space<semaphore_mem>>)
    }
    %scan3A_110 = arith.constant 16 : i32
    %rem3A = arith.constant 14 : i32
    %rem3A_111 = arith.constant 4 : i32
    %rem3A_112 = arith.remsi %rem3A, %rem3A_111 : i32
    %mul3A_113 = arith.constant 64 : i32
    %mul3A_114 = arith.muli %rem3A_112, %mul3A_113 : i32
    %dma_wait3A = arith.constant 0 : i32
    %dma_wait3A_115 = tpu.memref_slice %arg7[%mul3A_114, %dma_wait3A] : memref<256x384xf32, #tpu.memory_space<vmem>> -> memref<64x384xf32, #tpu.memory_space<vmem>>
    %dma_wait3A_116 = arith.constant 0 : i32
    %dma_wait3A_117 = tpu.memref_slice %arg5[%mul3A_2, %dma_wait3A_116] : memref<32768x384xf32, #tpu.memory_space<hbm>> -> memref<64x384xf32, #tpu.memory_space<hbm>>
    %dma_wait3A_118 = tpu.memref_slice %arg11[%rem3A_112] : memref<4x!tpu.dma_semaphore, #tpu.memory_space<semaphore_mem>> -> memref<1x!tpu.dma_semaphore, #tpu.memory_space<semaphore_mem>>
    %dma_wait3A_119 = tpu.memref_squeeze %dma_wait3A_118 : memref<1x!tpu.dma_semaphore, #tpu.memory_space<semaphore_mem>> -> memref<!tpu.dma_semaphore, #tpu.memory_space<semaphore_mem>>
    %dma_wait3A_120 = arith.constant 0 : i32
    %dma_wait3A_121 = tpu.memref_slice %arg5[%mul3A_2, %dma_wait3A_120] : memref<32768x384xf32, #tpu.memory_space<hbm>> -> memref<64x384xf32, #tpu.memory_space<hbm>>
    %dma_wait3A_122 = arith.constant 0 : i32
    %dma_wait3A_123 = tpu.memref_slice %arg7[%mul3A_114, %dma_wait3A_122] : memref<256x384xf32, #tpu.memory_space<vmem>> -> memref<64x384xf32, #tpu.memory_space<vmem>>
    tpu.wait_dma2 semaphore(%dma_wait3A_119 : memref<!tpu.dma_semaphore, #tpu.memory_space<semaphore_mem>>) src(%dma_wait3A_123 : memref<64x384xf32, #tpu.memory_space<vmem>>) dst(%dma_wait3A_121 : memref<64x384xf32, #tpu.memory_space<hbm>>)
    %rem3A_124 = arith.constant 15 : i32
    %rem3A_125 = arith.constant 4 : i32
    %rem3A_126 = arith.remsi %rem3A_124, %rem3A_125 : i32
    %mul3A_127 = arith.constant 64 : i32
    %mul3A_128 = arith.muli %rem3A_126, %mul3A_127 : i32
    %dma_wait3A_129 = arith.constant 0 : i32
    %dma_wait3A_130 = tpu.memref_slice %arg7[%mul3A_128, %dma_wait3A_129] : memref<256x384xf32, #tpu.memory_space<vmem>> -> memref<64x384xf32, #tpu.memory_space<vmem>>
    %dma_wait3A_131 = arith.constant 0 : i32
    %dma_wait3A_132 = tpu.memref_slice %arg5[%mul3A_2, %dma_wait3A_131] : memref<32768x384xf32, #tpu.memory_space<hbm>> -> memref<64x384xf32, #tpu.memory_space<hbm>>
    %dma_wait3A_133 = tpu.memref_slice %arg11[%rem3A_126] : memref<4x!tpu.dma_semaphore, #tpu.memory_space<semaphore_mem>> -> memref<1x!tpu.dma_semaphore, #tpu.memory_space<semaphore_mem>>
    %dma_wait3A_134 = tpu.memref_squeeze %dma_wait3A_133 : memref<1x!tpu.dma_semaphore, #tpu.memory_space<semaphore_mem>> -> memref<!tpu.dma_semaphore, #tpu.memory_space<semaphore_mem>>
    %dma_wait3A_135 = arith.constant 0 : i32
    %dma_wait3A_136 = tpu.memref_slice %arg5[%mul3A_2, %dma_wait3A_135] : memref<32768x384xf32, #tpu.memory_space<hbm>> -> memref<64x384xf32, #tpu.memory_space<hbm>>
    %dma_wait3A_137 = arith.constant 0 : i32
    %dma_wait3A_138 = tpu.memref_slice %arg7[%mul3A_128, %dma_wait3A_137] : memref<256x384xf32, #tpu.memory_space<vmem>> -> memref<64x384xf32, #tpu.memory_space<vmem>>
    tpu.wait_dma2 semaphore(%dma_wait3A_134 : memref<!tpu.dma_semaphore, #tpu.memory_space<semaphore_mem>>) src(%dma_wait3A_138 : memref<64x384xf32, #tpu.memory_space<vmem>>) dst(%dma_wait3A_136 : memref<64x384xf32, #tpu.memory_space<hbm>>)
    return
  }
}

</mosaic_0001>

<sc_bundles>
// kernel: kernel.3.cloned.1.call-start
scs
__scs_entry_jumppad:
0x0: {  	(pc) =	sbr.rel $0x88, $3  }
0x1: {  	(tag) =	ssettag $0x0;
	lr =	simm.s32 $0x1  }
0x2: {  	[smem:$0x3F9E] =	sst lr;
	_ =	strace $0xD0000000  }
0x3: {  	_ = 	snop  }
0x4: {  	_ = 	snop  }
0x5: {  	_ = 	snop  }
0x6: {  	_ = 	snop  }
0x7: {  	_ = 	snop  }
__scs_overlays_trampoline_lowered:
0x8: {  	[smem:$0x3FAD] =	sst s0  }
0x9: {  	[smem:$0x3FAE] =	sst s1  }
0xa: {  	[smem:$0x3FAF] =	sst s2  }
0xb: {  	[smem:$0x3FB0] =	sst s3  }
0xc: {  	[smem:$0x3FB1] =	sst s4  }
0xd: {  	[smem:$0x3FB2] =	sst s5  }
0xe: {  	[smem:$0x3FB3] =	sst s6  }
0xf: {  	[smem:$0x3FB4] =	sst s7  }
0x10: {  	[smem:$0x3FB5] =	sst s8  }
0x11: {  	[smem:$0x3FB6] =	sst s9;
	s0 =	simm.s32 @!p0 $0x0  }
0x12: {  	s1 =	sld [smem:$0x3F9C];
	s0 =	simm.s32 @p0 $0x1  }
0x13: {  	[smem:$0x3FB7] =	sst s0;
	s0 =	simm.s32 @!p1 $0x0  }
0x14: {  	s2 =	sld [smem:$0x3F9B];
	s0 =	simm.s32 @p1 $0x1  }
0x15: {  	[smem:$0x3FB8] =	sst s0;
	s0 =	simm.s32 @!p2 $0x0  }
0x16: {  	s3 =	sld [smem:$0x3FDB];
	s0 =	simm.s32 @p2 $0x1  }
0x17: {  	s4 =	simm.s32 $0x1BF5;
	[smem:$0x3FBA] =	sst s0  }
0x18: {  	s0 =	sld [smem:$0x3F9D];
	_ =	swait.ge [sflag:s4], $0x0  }
0x19: {  	s7 =	sld [smem:$0x3F9E]  }
0x1a: {  	s8 =	sadd.s32 $0xFFFFE003, lr  }
0x1b: {  	s9 =	sadd.s32 $0xFFFFFEF7, lr;
	s5 =	simm.s32 $0xFFFFFFFF;
	p2 =	slt.u32 s8, $0xFFFFF086  }
0x1c: {  	p1 =	slt.u32 s9, $0xF7A;
	s5 =	simm.s32 @!p2 $0x0  }
0x1d: {  	s5 =	simm.s32 @p1 $0x1;
	p0 =	seq.s32 s7, s2  }
0x1e: {  	s7 =	smul.u32 @!p0 $0xF7A, s2;
	p2 =	seq.s32 @!p0 s5, $0x0  }
0x1f: {  	s9 =	smul.u32 $0xF7A, s1;
	s8 =	simm.s32 @!p0 $0x1BF5;
	p2 =	por !p2, p0  }
0x20: {  	[sflag:s8] =	ssyncset.s32 @!p0 $0xFFFFF086;
	s6 =	sadd.s32 @!p0 s3, s7;
	s7 =	simm.s32 @!p0 $0x108  }
0x21: {  	s3 =	sadd.s32 s3, s9;
	s6 =	sadd.s32 @!p0 $0x88, s6;
	s7 =	simm.s32 @p2 $0x1082  }
0x22: {  	[simem:s7], [sflag:s8] =	dma.local @!p0 [hbm:s6], $0xF7A  }
0x23: {  	s9 =	sor.u32 $0xD0000000, s2;
	s6 =	simm.s32 $0x108;
	_ =	swait.ge @!p0 [sflag:s8], $0x0  }
0x24: {  	s3 =	sadd.s32 $0x88, s3;
	s6 =	simm.s32 @!p1 $0x1082;
	[sflag:s4] =	ssyncset.s32 $0xFFFFF086  }
0x25: {  	[simem:s6], [sflag:s4] =	dma.local [hbm:s3], $0xF7A  }
0x26: {  	[smem:$0x3F9E] =	sst s1;
	(tag) =	ssettag s2;
	_ =	strace s9  }
0x27: {  	s1 =	sld [smem:$0x3FAE]  }
0x28: {  	s2 =	sld [smem:$0x3FAF]  }
0x29: {  	s4 =	sld [smem:$0x3FB1]  }
0x2a: {  	p0 =	seq.s32 s5, $0x0;
	s5 =	sld [smem:$0x3FB2]  }
0x2b: {  	s6 =	sld [smem:$0x3FB3]  }
0x2c: {  	s7 =	sld [smem:$0x3FB4]  }
0x2d: {  	s3 =	simm.s32 $0x108;
	s8 =	sld [smem:$0x3FB5]  }
0x2e: {  	s3 =	simm.s32 @!p0 $0x1082;
	s9 =	sld [smem:$0x3FB6]  }
0x2f: {  	lr =	sadd.s32 s0, s3;
	s0 =	sld [smem:$0x3FAD]  }
0x30: {  	s3 =	sld [smem:$0x3FB0]  }
0x31: {  	[smem:$0x3FB9] =	sst s10  }
0x32: {  	s10 =	sld [smem:$0x3FB7];
	_ =	sdelay $0x3  }
0x33: {  	p0 =	seq.s32 s10, $0x1;
	s10 =	sld [smem:$0x3FB9];
	_ =	sdelay $0x3  }
0x34: {  	[smem:$0x3FB9] =	sst s10  }
0x35: {  	s10 =	sld [smem:$0x3FB8];
	_ =	sdelay $0x3  }
0x36: {  	p1 =	seq.s32 s10, $0x1;
	s10 =	sld [smem:$0x3FB9];
	_ =	sdelay $0x3  }
0x37: {  	[smem:$0x3FB9] =	sst s10  }
0x38: {  	s10 =	sld [smem:$0x3FBA]  }
0x39: {  	_ = 	snop;
	(pc) =	sbr.ind lr, $3  }
0x3a: {  	_ = 	snop  }
0x3b: {  	_ = 	snop  }
0x3c: {  	p2 =	seq.s32 s10, $0x1;
	s10 =	sld [smem:$0x3FB9]  }
0x3d: {  	_ =	shalt  }
0x3e: {  	_ =	shalt  }
0x3f: {  	_ =	shalt  }
0x40: {  	_ =	shalt  }
0x41: {  	_ =	shalt  }
0x42: {  	_ =	shalt  }
0x43: {  	_ =	shalt  }
0x44: {  	_ =	shalt  }
0x45: {  	_ =	shalt  }
0x46: {  	_ =	shalt  }
0x47: {  	_ =	shalt  }
0x48: {  	_ =	shalt  }
0x49: {  	_ =	shalt  }
0x4a: {  	_ =	shalt  }
0x4b: {  	_ =	shalt  }
0x4c: {  	_ =	shalt  }
0x4d: {  	_ =	shalt  }
0x4e: {  	_ =	shalt  }
0x4f: {  	_ =	shalt  }
0x50: {  	_ =	shalt  }
0x51: {  	_ =	shalt  }
0x52: {  	_ =	shalt  }
0x53: {  	_ =	shalt  }
0x54: {  	_ =	shalt  }
0x55: {  	_ =	shalt  }
0x56: {  	_ =	shalt  }
0x57: {  	_ =	shalt  }
0x58: {  	_ =	shalt  }
0x59: {  	_ =	shalt  }
0x5a: {  	_ =	shalt  }
0x5b: {  	_ =	shalt  }
0x5c: {  	_ =	shalt  }
0x5d: {  	_ =	shalt  }
0x5e: {  	_ =	shalt  }
0x5f: {  	_ =	shalt  }
0x60: {  	_ =	shalt  }
0x61: {  	_ =	shalt  }
0x62: {  	_ =	shalt  }
0x63: {  	_ =	shalt  }
0x64: {  	_ =	shalt  }
0x65: {  	_ =	shalt  }
0x66: {  	_ =	shalt  }
0x67: {  	_ =	shalt  }
0x68: {  	_ =	shalt  }
0x69: {  	_ =	shalt  }
0x6a: {  	_ =	shalt  }
0x6b: {  	_ =	shalt  }
0x6c: {  	_ =	shalt  }
0x6d: {  	_ =	shalt  }
0x6e: {  	_ =	shalt  }
0x6f: {  	_ =	shalt  }
0x70: {  	_ =	shalt  }
0x71: {  	_ =	shalt  }
0x72: {  	_ =	shalt  }
0x73: {  	_ =	shalt  }
0x74: {  	_ =	shalt  }
0x75: {  	_ =	shalt  }
0x76: {  	_ =	shalt  }
0x77: {  	_ =	shalt  }
0x78: {  	_ =	shalt  }
0x79: {  	_ =	shalt  }
0x7a: {  	_ =	shalt  }
0x7b: {  	_ =	shalt  }
0x7c: {  	_ =	shalt  }
0x7d: {  	_ =	shalt  }
0x7e: {  	_ =	shalt  }
0x7f: {  	_ =	shalt  }
0x80: {  	_ =	shalt  }
0x81: {  	_ =	shalt  }
0x82: {  	_ =	shalt  }
0x83: {  	_ =	shalt  }
0x84: {  	_ =	shalt  }
0x85: {  	_ =	shalt  }
0x86: {  	_ =	shalt  }
0x87: {  	_ =	shalt  }
.Lfunc_end0:
.L_simem_size_0:
called_computation_lowered:
.L_overlay_start_0:
0x88: {  	s2 =	sld [smem:$0x3FD9]  }
0x89: {  	s3 =	sld [smem:$0x3FFE];
	_ =	sdelay $0x1  }
0x8a: {  	s1 =	srdreg.scid  }
0x8b: {  	s0 =	sand.u32 $0x1, s1  }
0x8c: {  	s17 =	sshll.u32 s0, $0xA;
	s2 =	sadd.s32 s3, s2  }
0x8d: {  	s2 =	sadd.s32 s2, s17  }
0x8e: {  	[smem:$0x3FC5] =	sst s2  }
0x8f: {  	_ = 	snop  }
0x90: {  	s2 =	sld [smem:$0x3FC8]  }
0x91: {  	s18 =	sld [smem:$0x3FC7]  }
0x92: {  	s4 =	sld [smem:$0x3FD0];
	(tm) =	ssettm $0x1  }
0x93: {  	s5 =	sld [smem:$0x3FFB];
	_ =	sdelay $0x3  }
0x94: {  	_ =	strace s5  }
0x95: {  	s5 =	sld [smem:$0x3FFC];
	_ =	sdelay $0x3  }
0x96: {  	_ =	strace s5  }
0x97: {  	s5 =	sld [smem:$0x3FFD];
	_ =	sdelay $0x3  }
0x98: {  	_ =	strace s5  }
0x99: {  	_ =	strace $0x8FFFFFFF  }
0x9a: {  	s19 =	sld [smem:$0x3FDB];
	_ =	sdelay $0x1  }
0x9b: {  	s6 =	simm.s32 $_scs_section_size  }
0x9c: {  	s7 =	simm.s32 $_size__tile_overlayer_lowered;
	s8 =	simm.s32 $_tile_overlayer_lowered  }
0x9d: {  	s22 =	simm.s32 $0x1BFF;
	s21 =	sshll.u32 s8, $0x1;
	s5 =	sadd.s32 s6, s19  }
0x9e: {  	s9 =	simm.s32 $0x0;
	s20 =	sshll.u32 s7, $0x1;
	s7 =	sadd.s32 s21, s5  }
0x9f: {  	[timem:s9], [sflag:s22] =	dma.local [hbm:s7], s20  }
0xa0: {  	_ =	swait.ge [sflag:s22], s20  }
0xa1: {  	s6 =	ssub.s32 $0x0, s20;
	[sflag:s22] =	ssyncset.done $0x0  }
0xa2: {  	[sflag:s22] =	ssyncadd.s32 s6;
	_ =	sdelay $0x1  }
0xa3: {  	s23 =	simm.s32 $0x1B8B  }
0xa4: {  	_ =	swait.ge [sflag:s23], $0x1  }
0xa5: {  	[sflag:s23] =	ssyncset.done $0x0  }
0xa6: {  	s25 =	simm.s32 $0x1B8E;
	s24 =	sld [smem:$0x3FFE];
	[sflag:s23] =	ssyncadd.s32 $0xFFFFFFFF  }
0xa7: {  	s26 =	simm.s32 $execute0_lowered;
	[smem:$0x3FD2] =	sst s25  }
0xa8: {  	s7 =	sshll.u32 s26, $0x1;
	_ =	strace $0x80000046;
	[dreg:$0x1] =	wrdreg $0xFFFFFFFF  }
0xa9: {  	s28 =	simm.s32 $_size_execute0_lowered;
	s5 =	sadd.s32 s5, s7;
	[dreg:$0x0] =	wrdreg $0x0  }
0xaa: {  	s7 =	sshll.u32 s28, $0x1;
	[dreg:$0x2] =	wrdreg s5  }
0xab: {  	[dreg:$0x3] =	wrdreg s7  }
0xac: {  	[dreg:$0x4] =	wrdreg $0xC0  }
0xad: {  	_ =	task [dreg:s9], $0x5FFFF  }
0xae: {  	[dreg:$0x1] =	wrdreg $0xFFFFFFFF  }
0xaf: {  	[dreg:$0x0] =	wrdreg $0x60  }
0xb0: {  	[dreg:$0x2] =	wrdreg s24  }
0xb1: {  	[dreg:$0x3] =	wrdreg s2  }
0xb2: {  	[dreg:$0x4] =	wrdreg s18  }
0xb3: {  	[dreg:$0x5] =	wrdreg s4  }
0xb4: {  	[dreg:$0x6] =	wrdreg $0x9  }
0xb5: {  	_ =	task.clear_ibuf [dreg:s9], $0x7FFFF;
	_ =	strace $0x90000046  }
0xb6: {  	s29 =	simm.s32 $0x9;
	_ =	strace $0x80000048  }
0xb7: {  	_ =	swait.ge [sflag:s29], $0x1  }
0xb8: {  	[sflag:s29] =	ssyncadd.s32 $0xFFFFFFFF  }
0xb9: {  	_ =	strace $0x90000048  }
0xba: {  	_ =	sfence  }
0xbb: {  	s30 =	sld [smem:$0x0];
	_ =	sdelay $0x2  }
0xbc: {  	s31 =	sshll.u32 s1, $0xD;
	s1 =	sshrl.u32 s1, $0x2  }
0xbd: {  	s3 =	sand.u32 $0x4000, s31;
	s1 =	sadd.s32 s1, s30  }
0xbe: {  	s0 =	sor.u32 s3, s0;
	s1 =	sshll.u32 s1, $0x11  }
0xbf: {  	s0 =	sor.u32 s1, s0  }
0xc0: {  	s0 =	sadd.s32 $0x8F2B, s0  }
0xc1: {  	[sflag:s0] =	ssyncadd.remote.s32 $0x1  }
0xc2: {  	_ =	sfence.sel $0xFFFF  }
0xc3: {  	[dreg:$0x0] =	wrdreg $0xFFFFFFFF;
	(pc) =	sbr.abs _section_cstart, $3  }
0xc4: {  	[dreg:$0x1] =	wrdreg $0xFFFFFFFF  }
0xc5: {  	_ =	task.clear_ibuf [dreg:s9], $0x2FFFF;
	_ =	strace $0x9FFFFFFF  }
0xc6: {  	(tm) =	ssettm $0x7FFFFFFF  }
0xc7: {  	_ =	shalt  }
tec
execute0_lowered:
.L_overlay_start_1:
0x0: {  	(tag) =	ssettag $0x1  }
0x1: {  	v0 =	vimm.s32 $0xEFCDAB89;
	v1 =	vimm.s32 $0x67452301  }
0x2: {  	v0 =	vunpack.c.l.s4.s8 v0;
	v1 =	vunpack.c.l.s4.s8 v1  }
0x3: {  	v2 =	vimm.s32 $0xDCFE98BA;
	v3 =	vimm.s32 $0x54761032;
	v4 =	vimm.s32 $0xBA98FEDC  }
0x4: {  	v2 =	vunpack.c.l.s4.s8 v2;
	v0 =	vunpack.c.0.s8.s32 v0;
	v1 =	vunpack.c.0.s8.s32 v1  }
0x5: {  	v5 =	vimm.s32 $0x32107654;
	v3 =	vunpack.c.l.s4.s8 v3;
	v4 =	vunpack.c.l.s4.s8 v4  }
0x6: {  	s1 =	srdreg.scid;
	v5 =	vunpack.c.l.s4.s8 v5;
	v7 =	vcombine.low v1, v0;
	v0 =	vunpack.c.0.s8.s32 v2  }
0x7: {  	s0 =	rddreg [dreg:$0x0];
	s2 =	stileid.u32;
	s1 =	sand.u32 $0x1, s1;
	v1 =	vunpack.c.0.s8.s32 v3;
	v2 =	vunpack.c.0.s8.s32 v4;
	v4 =	vimm.s32 $0xFEDCBA98  }
0x8: {  	s28 =	simm.s32 $0x0;
	v6 =	vlaneseq.u32;
	s2 =	sshll.u32 s2, $0xB;
	s3 =	sshll.u32 s1, $0xA;
	v3 =	vunpack.c.0.s8.s32 v5;
	v4 =	vunpack.c.l.s4.s8 v4  }
0x9: {  	[smem:$0x7FF] =	sst s28;
	s2 =	sor.u32 s3, s2;
	v5 =	vcombine.low v1, v0;
	v0 =	vimm.s32 $0x76543210;
	v1 =	vshrl.u32 v6, $0x3  }
0xa: {  	[dreg:$0x5] =	wrdreg s2;
	v8 =	vcombine.low v3, v2;
	v2 =	vunpack.c.l.s4.s8 v0;
	v0 =	vand.u32 $0x7, v6  }
0xb: {  	s4 =	rddreg [dreg:$0x1];
	_ =	strace $0x80000047;
	v3 =	vand.u32 $0xF, v7;
	[tilespmem:$0x1FF90] =	vst v0;
	v0 =	vmul.u32 $0x8, v1  }
0xc: {  	s1 =	ssub.s32 $0x2, s1;
	v4 =	vunpack.c.0.s8.s32 v4;
	[tilespmem:$0x1FFC0] =	vst v3  }
0xd: {  	s29 =	sshrl.u32 s1, $0x1;
	v9 =	vunpack.c.0.s8.s32 v2;
	[tilespmem:$0x1FFA0] =	vst v0;
	v0 =	vor.u32 $0x8, v6  }
0xe: {  	s30 =	sadd.s32 $0x100, s4;
	s2 =	sshrl.u32 s2, $0x3;
	s1 =	ssub.s32 s1, s29;
	v6 =	vand.u32 $0xF, v4;
	v4 =	vand.u32 $0xF, v5;
	[tilespmem:$0x1FFB0] =	vst v0  }
0xf: {  	s0 =	sadd.s32 s2, s0;
	[dreg:$0x7] =	wrdreg s30;
	s31 =	smax.u32 s1, $0x1;
	v5 =	vand.u32 $0xF, v8;
	v6 =	vcombine.low v6, v9;
	[tilespmem:$0x1FFD0] =	vst v4  }
0x10: {  	s0 =	sadd.s32 $0x400, s0;
	[dreg:$0x8] =	wrdreg s31;
	[tilespmem:$0x1FFE0] =	vst v5  }
0x11: {  	vm0 =	vmmov $0xffff;
	vm1 =	vmmov $0xff;
	s2 =	simm.s32 $0x0;
	[dreg:$0x6] =	wrdreg s0;
	[tilespmem:$0x1FFF0] =	vst v6  }
.LBB2_1:
0x12: {  	[dreg:$0x9] =	wrdreg s2  }
0x13: {  	s0 =	rddreg [dreg:$0x2]  }
0x14: {  	s1 =	simm.s32 $0x0;
	s24 =	simm.s32 $0x18400;
	s25 =	simm.s32 $0x9  }
0x15: {  	[tilespmem:s24], [sflag:$0x9] =	stream.linear.gather [hbm4b:s0+s1], $0x180, $0x38;
	[tilespmem:$0x1A580] =	vst v63  }
0x16: {  	_ =	swait.ge [sflag:s25], $0x180  }
0x17: {  	[sflag:s25] =	ssyncset.done $0x0  }
0x18: {  	s26 =	rddreg [dreg:$0x6];
	[sflag:s25] =	ssyncadd.s32 $0xFFFFFE80  }
0x19: {  	[tilespmem:s1], [sflag:$0x9] =	stream.linear.gather [hbm4b:s26+s1], $0x400, $0x38;
	[tilespmem:$0x1A580] =	vst v63  }
0x1a: {  	_ =	swait.ge [sflag:s25], $0x400  }
0x1b: {  	[sflag:s25] =	ssyncset.done $0x0  }
0x1c: {  	[sflag:s25] =	ssyncadd.s32 $0xFFFFFC00  }
0x1d: {  	v23 =	vld [tilespmem:$0x0]  }
0x1e: {  	v0 =	vld [tilespmem:$0x184E0];
	_ =	sdelay $0x3  }
0x1f: {  	v22 =	vshrl.u32 v23, $0x3  }
0x20: {  	[tilespmem:$0x1FEE0] =	vst v0;
	v0 =	vmul.u32 $0x18, v22  }
0x21: {  	v25 =	vand.u32 $0x7, v23  }
0x22: {  	v7 =	vor.u32 v25, v0;
	v0 =	vld [tilespmem:$0x1FF90]  }
0x23: {  	v1 =	vld [tilespmem:$0x1FFA0]  }
0x24: {  	v8 =	vld [tilespmem:$0x18400]  }
0x25: {  	v9 =	vld [tilespmem:$0x18410]  }
0x26: {  	v10 =	vld [tilespmem:$0x18420]  }
0x27: {  	v11 =	vld [tilespmem:$0x18430];
	v2 =	vperm.xlane v7, v0  }
0x28: {  	v12 =	vld [tilespmem:$0x18440]  }
0x29: {  	v31 =	vadd.s32 v1, v2;
	v2 =	vld [tilespmem:$0x18540]  }
0x2a: {  	v13 =	vld [tilespmem:$0x18450]  }
0x2b: {  	v14 =	vld [tilespmem:$0x18460]  }
0x2c: {  	v15 =	vld [tilespmem:$0x18470]  }
0x2d: {  	v24 =	vld [tilespmem:$0x18480]  }
0x2e: {  	[tilespmem:$0x1FEF0] =	vst v2;
	v2 =	vld [tilespmem:$0x18550]  }
0x2f: {  	v19 =	vld [tilespmem:$0x18490]  }
0x30: {  	v20 =	vld [tilespmem:$0x184A0]  }
0x31: {  	v21 =	vld [tilespmem:$0x184B0]  }
0x32: {  	v26 =	vld [tilespmem:$0x184C0]  }
0x33: {  	[tilespmem:$0x1FF00] =	vst v2;
	v2 =	vld [tilespmem:$0x1FFB0]  }
0x34: {  	v29 =	vld [tilespmem:$0x184D0]  }
0x35: {  	v16 =	vld [tilespmem:$0x18510]  }
0x36: {  	v18 =	vld [tilespmem:$0x18520]  }
0x37: {  	v27 =	vld [tilespmem:$0x18530]  }
0x38: {  	v28 =	vld [tilespmem:$0x18570];
	v32 =	vperm.xlane v7, v2  }
0x39: {  	v23 =	vld [tilespmem:$0x18500]  }
0x3a: {  	s28 =	simm.s32 $0x400;
	s0 =	rddreg [dreg:$0x1];
	v22 =	vld [tilespmem:$0x184F0];
	v32 =	vadd.s32 v1, v32  }
0x3b: {  	v25 =	vld [tilespmem:$0x18560];
	[tilespmem:s28], [sflag:$0x1] =	stream.indirect_vreg.gather [hbm4b:s0+s1], $0x80, v31, vm0, $0xb8  }
0x3c: {  	s3 =	simm.s32 $0xC00;
	s2 =	rddreg [dreg:$0x7]  }
0x3d: {  	[tilespmem:s3], [sflag:$0x1] =	stream.indirect_vreg.gather [hbm4b:s2+s1], $0x80, v31, vm1, $0xb8;
	[tilespmem:$0x1A580] =	vst v63  }
0x3e: {  	s29 =	simm.s32 $0x1000  }
0x3f: {  	[tilespmem:s29], [sflag:$0x1] =	stream.indirect_vreg.gather [hbm4b:s0+s1], $0x80, v32, vm0, $0xb8;
	[tilespmem:$0x1A580] =	vst v63  }
0x40: {  	s30 =	simm.s32 $0x1800  }
0x41: {  	[tilespmem:s30], [sflag:$0x1] =	stream.indirect_vreg.gather [hbm4b:s2+s1], $0x80, v32, vm1, $0xb8;
	[tilespmem:$0x1A580] =	vst v63  }
0x42: {  	v31 =	vld [tilespmem:$0x10];
	_ =	sdelay $0x4  }
0x43: {  	v57 =	vshrl.u32 v31, $0x3  }
0x44: {  	v32 =	vmul.u32 $0x18, v57  }
0x45: {  	v31 =	vand.u32 $0x7, v31  }
0x46: {  	v31 =	vor.u32 v31, v32  }
0x47: {  	v32 =	vperm.xlane v31, v0;
	_ =	sdelay $0x1  }
0x48: {  	v32 =	vadd.s32 v1, v32;
	_ =	sdelay $0x1  }
0x49: {  	v31 =	vperm.xlane v31, v2;
	_ =	sdelay $0x1  }
0x4a: {  	s31 =	simm.s32 $0x1C00;
	v31 =	vadd.s32 v1, v31  }
0x4b: {  	[tilespmem:s31], [sflag:$0x1] =	stream.indirect_vreg.gather [hbm4b:s0+s1], $0x80, v32, vm0, $0xb8;
	[tilespmem:$0x1A580] =	vst v63  }
0x4c: {  	s4 =	simm.s32 $0x2400  }
0x4d: {  	[tilespmem:s4], [sflag:$0x1] =	stream.indirect_vreg.gather [hbm4b:s2+s1], $0x80, v32, vm1, $0xb8;
	[tilespmem:$0x1A580] =	vst v63  }
0x4e: {  	s5 =	simm.s32 $0x2800  }
0x4f: {  	[tilespmem:s5], [sflag:$0x1] =	stream.indirect_vreg.gather [hbm4b:s0+s1], $0x80, v31, vm0, $0xb8;
	[tilespmem:$0x1A580] =	vst v63  }
0x50: {  	s6 =	simm.s32 $0x3000  }
0x51: {  	[tilespmem:s6], [sflag:$0x1] =	stream.indirect_vreg.gather [hbm4b:s2+s1], $0x80, v31, vm1, $0xb8;
	[tilespmem:$0x1A580] =	vst v63  }
0x52: {  	v31 =	vld [tilespmem:$0x20];
	_ =	sdelay $0x4  }
0x53: {  	v58 =	vshrl.u32 v31, $0x3  }
0x54: {  	v32 =	vmul.u32 $0x18, v58  }
0x55: {  	v31 =	vand.u32 $0x7, v31  }
0x56: {  	v31 =	vor.u32 v31, v32  }
0x57: {  	v32 =	vperm.xlane v31, v0;
	_ =	sdelay $0x1  }
0x58: {  	v32 =	vadd.s32 v1, v32;
	_ =	sdelay $0x1  }
0x59: {  	v31 =	vperm.xlane v31, v2;
	_ =	sdelay $0x1  }
0x5a: {  	s7 =	simm.s32 $0x3400;
	v31 =	vadd.s32 v1, v31  }
0x5b: {  	[tilespmem:s7], [sflag:$0x1] =	stream.indirect_vreg.gather [hbm4b:s0+s1], $0x80, v32, vm0, $0xb8;
	[tilespmem:$0x1A580] =	vst v63  }
0x5c: {  	s8 =	simm.s32 $0x3C00  }
0x5d: {  	[tilespmem:s8], [sflag:$0x1] =	stream.indirect_vreg.gather [hbm4b:s2+s1], $0x80, v32, vm1, $0xb8;
	[tilespmem:$0x1A580] =	vst v63  }
0x5e: {  	s9 =	simm.s32 $0x4000  }
0x5f: {  	[tilespmem:s9], [sflag:$0x1] =	stream.indirect_vreg.gather [hbm4b:s0+s1], $0x80, v31, vm0, $0xb8;
	[tilespmem:$0x1A580] =	vst v63  }
0x60: {  	s10 =	simm.s32 $0x4800  }
0x61: {  	[tilespmem:s10], [sflag:$0x1] =	stream.indirect_vreg.gather [hbm4b:s2+s1], $0x80, v31, vm1, $0xb8;
	[tilespmem:$0x1A580] =	vst v63  }
0x62: {  	v31 =	vld [tilespmem:$0x30];
	_ =	sdelay $0x4  }
0x63: {  	v59 =	vshrl.u32 v31, $0x3  }
0x64: {  	v32 =	vmul.u32 $0x18, v59  }
0x65: {  	v31 =	vand.u32 $0x7, v31  }
0x66: {  	v31 =	vor.u32 v31, v32  }
0x67: {  	v32 =	vperm.xlane v31, v0;
	_ =	sdelay $0x1  }
0x68: {  	v32 =	vadd.s32 v1, v32;
	_ =	sdelay $0x1  }
0x69: {  	v31 =	vperm.xlane v31, v2;
	_ =	sdelay $0x1  }
0x6a: {  	s11 =	simm.s32 $0x4C00;
	v31 =	vadd.s32 v1, v31  }
0x6b: {  	[tilespmem:s11], [sflag:$0x1] =	stream.indirect_vreg.gather [hbm4b:s0+s1], $0x80, v32, vm0, $0xb8;
	[tilespmem:$0x1A580] =	vst v63  }
0x6c: {  	s12 =	simm.s32 $0x5400  }
0x6d: {  	[tilespmem:s12], [sflag:$0x1] =	stream.indirect_vreg.gather [hbm4b:s2+s1], $0x80, v32, vm1, $0xb8;
	[tilespmem:$0x1A580] =	vst v63  }
0x6e: {  	s13 =	simm.s32 $0x5800  }
0x6f: {  	[tilespmem:s13], [sflag:$0x1] =	stream.indirect_vreg.gather [hbm4b:s0+s1], $0x80, v31, vm0, $0xb8;
	[tilespmem:$0x1A580] =	vst v63  }
0x70: {  	s14 =	simm.s32 $0x6000  }
0x71: {  	[tilespmem:s14], [sflag:$0x1] =	stream.indirect_vreg.gather [hbm4b:s2+s1], $0x80, v31, vm1, $0xb8;
	[tilespmem:$0x1A580] =	vst v63  }
0x72: {  	v31 =	vld [tilespmem:$0x40];
	_ =	sdelay $0x4  }
0x73: {  	v60 =	vshrl.u32 v31, $0x3  }
0x74: {  	v32 =	vmul.u32 $0x18, v60  }
0x75: {  	v31 =	vand.u32 $0x7, v31  }
0x76: {  	v31 =	vor.u32 v31, v32  }
0x77: {  	v32 =	vperm.xlane v31, v0;
	_ =	sdelay $0x1  }
0x78: {  	v32 =	vadd.s32 v1, v32;
	_ =	sdelay $0x1  }
0x79: {  	v31 =	vperm.xlane v31, v2;
	_ =	sdelay $0x1  }
0x7a: {  	s15 =	simm.s32 $0x6400;
	v31 =	vadd.s32 v1, v31  }
0x7b: {  	[tilespmem:s15], [sflag:$0x2] =	stream.indirect_vreg.gather [hbm4b:s0+s1], $0x80, v32, vm0, $0xb8;
	[tilespmem:$0x1A580] =	vst v63  }
0x7c: {  	s16 =	simm.s32 $0x6C00  }
0x7d: {  	[tilespmem:s16], [sflag:$0x2] =	stream.indirect_vreg.gather [hbm4b:s2+s1], $0x80, v32, vm1, $0xb8;
	[tilespmem:$0x1A580] =	vst v63  }
0x7e: {  	s17 =	simm.s32 $0x7000  }
0x7f: {  	[tilespmem:s17], [sflag:$0x2] =	stream.indirect_vreg.gather [hbm4b:s0+s1], $0x80, v31, vm0, $0xb8;
	[tilespmem:$0x1A580] =	vst v63  }
0x80: {  	s18 =	simm.s32 $0x7800  }
0x81: {  	[tilespmem:s18], [sflag:$0x2] =	stream.indirect_vreg.gather [hbm4b:s2+s1], $0x80, v31, vm1, $0xb8;
	[tilespmem:$0x1A580] =	vst v63  }
0x82: {  	v31 =	vld [tilespmem:$0x50];
	_ =	sdelay $0x4  }
0x83: {  	v61 =	vshrl.u32 v31, $0x3  }
0x84: {  	v32 =	vmul.u32 $0x18, v61  }
0x85: {  	v31 =	vand.u32 $0x7, v31  }
0x86: {  	v31 =	vor.u32 v31, v32  }
0x87: {  	v32 =	vperm.xlane v31, v0;
	_ =	sdelay $0x1  }
0x88: {  	v32 =	vadd.s32 v1, v32;
	_ =	sdelay $0x1  }
0x89: {  	v31 =	vperm.xlane v31, v2;
	_ =	sdelay $0x1  }
0x8a: {  	s19 =	simm.s32 $0x7C00;
	v31 =	vadd.s32 v1, v31  }
0x8b: {  	[tilespmem:s19], [sflag:$0x2] =	stream.indirect_vreg.gather [hbm4b:s0+s1], $0x80, v32, vm0, $0xb8;
	[tilespmem:$0x1A580] =	vst v63  }
0x8c: {  	s20 =	simm.s32 $0x8400  }
0x8d: {  	[tilespmem:s20], [sflag:$0x2] =	stream.indirect_vreg.gather [hbm4b:s2+s1], $0x80, v32, vm1, $0xb8;
	[tilespmem:$0x1A580] =	vst v63  }
0x8e: {  	s21 =	simm.s32 $0x8800  }
0x8f: {  	[tilespmem:s21], [sflag:$0x2] =	stream.indirect_vreg.gather [hbm4b:s0+s1], $0x80, v31, vm0, $0xb8;
	[tilespmem:$0x1A580] =	vst v63  }
0x90: {  	s22 =	simm.s32 $0x9000  }
0x91: {  	[tilespmem:s22], [sflag:$0x2] =	stream.indirect_vreg.gather [hbm4b:s2+s1], $0x80, v31, vm1, $0xb8;
	[tilespmem:$0x1A580] =	vst v63  }
0x92: {  	v31 =	vld [tilespmem:$0x60];
	_ =	sdelay $0x4  }
0x93: {  	v62 =	vshrl.u32 v31, $0x3  }
0x94: {  	v32 =	vmul.u32 $0x18, v62  }
0x95: {  	v31 =	vand.u32 $0x7, v31  }
0x96: {  	v31 =	vor.u32 v31, v32  }
0x97: {  	v32 =	vperm.xlane v31, v0;
	_ =	sdelay $0x1  }
0x98: {  	v32 =	vadd.s32 v1, v32;
	_ =	sdelay $0x1  }
0x99: {  	v31 =	vperm.xlane v31, v2;
	_ =	sdelay $0x1  }
0x9a: {  	s23 =	simm.s32 $0x9400;
	v31 =	vadd.s32 v1, v31  }
0x9b: {  	[tilespmem:s23], [sflag:$0x2] =	stream.indirect_vreg.gather [hbm4b:s0+s1], $0x80, v32, vm0, $0xb8;
	[tilespmem:$0x1A580] =	vst v63  }
0x9c: {  	s24 =	simm.s32 $0x9C00  }
0x9d: {  	[tilespmem:s24], [sflag:$0x2] =	stream.indirect_vreg.gather [hbm4b:s2+s1], $0x80, v32, vm1, $0xb8;
	[tilespmem:$0x1A580] =	vst v63  }
0x9e: {  	s25 =	simm.s32 $0xA000  }
0x9f: {  	[tilespmem:s25], [sflag:$0x2] =	stream.indirect_vreg.gather [hbm4b:s0+s1], $0x80, v31, vm0, $0xb8;
	[tilespmem:$0x1A580] =	vst v63  }
0xa0: {  	s26 =	simm.s32 $0xA800  }
0xa1: {  	[tilespmem:s26], [sflag:$0x2] =	stream.indirect_vreg.gather [hbm4b:s2+s1], $0x80, v31, vm1, $0xb8;
	[tilespmem:$0x1A580] =	vst v63  }
0xa2: {  	v31 =	vld [tilespmem:$0x70];
	_ =	sdelay $0x4  }
0xa3: {  	v63 =	vshrl.u32 v31, $0x3  }
0xa4: {  	v32 =	vmul.u32 $0x18, v63  }
0xa5: {  	v31 =	vand.u32 $0x7, v31  }
0xa6: {  	v31 =	vor.u32 v31, v32  }
0xa7: {  	v32 =	vperm.xlane v31, v0;
	_ =	sdelay $0x1  }
0xa8: {  	[tilespmem:$0x1FF10] =	vst v8;
	v32 =	vadd.s32 v1, v32  }
0xa9: {  	[tilespmem:$0x1FF20] =	vst v9  }
0xaa: {  	[tilespmem:$0x1FF30] =	vst v29;
	v31 =	vperm.xlane v31, v2  }
0xab: {  	[tilespmem:$0x1FF50] =	vst v26  }
0xac: {  	[tilespmem:$0x1FF60] =	vst v28;
	s28 =	simm.s32 $0xAC00;
	v31 =	vadd.s32 v1, v31  }
0xad: {  	[tilespmem:s28], [sflag:$0x2] =	stream.indirect_vreg.gather [hbm4b:s0+s1], $0x80, v32, vm0, $0xb8;
	[tilespmem:$0x1A580] =	vst v63  }
0xae: {  	[tilespmem:$0x1FF70] =	vst v19;
	s29 =	simm.s32 $0xB400  }
0xaf: {  	[tilespmem:s29], [sflag:$0x2] =	stream.indirect_vreg.gather [hbm4b:s2+s1], $0x80, v32, vm1, $0xb8;
	[tilespmem:$0x1A580] =	vst v63  }
0xb0: {  	[tilespmem:$0x1FF80] =	vst v15;
	s30 =	simm.s32 $0xB800  }
0xb1: {  	[tilespmem:s30], [sflag:$0x2] =	stream.indirect_vreg.gather [hbm4b:s0+s1], $0x80, v31, vm0, $0xb8;
	[tilespmem:$0x1A580] =	vst v63  }
0xb2: {  	[tilespmem:$0x1FF40] =	vst v25;
	s31 =	simm.s32 $0xC000;
	s4 =	simm.s32 $0x0;
	s7 =	simm.s32 $0x0  }
0xb3: {  	[tilespmem:s31], [sflag:$0x2] =	stream.indirect_vreg.gather [hbm4b:s2+s1], $0x80, v31, vm1, $0xb8;
	[tilespmem:$0x1A580] =	vst v63  }
.LBB2_2:
0xb4: {  	s0 =	sand.u32 $0x3, s4;
	p0 =	slt.u32 s4, $0x2  }
0xb5: {  	[dreg:$0xc] =	wrdreg s0;
	s2 =	sadd.s32 $0x1, s0;
	p1 =	sgt.u32 @!p0 s4, $0xD  }
0xb6: {  	s1 =	sadd.s32 $0x2, s4;
	_ =	swait.ge [sflag:s2], $0x6000;
	p1 =	por p0, !p1  }
.Ltmp0:
0xb7: {  	s0 =	sand.u32 $0x3, s1;
	[sflag:s2] =	ssyncset.done $0x0;
	(pc) =	sbr.rel @!p1 .LBB2_4-.Ltmp0, $4  }
0xb8: {  	[sflag:s2] =	ssyncadd.s32 $0xFFFFA000;
	s2 =	sadd.s32 @!p0 $0x5, s0  }
0xb9: {  	_ =	swait.ge @!p0 [sflag:s2], $0x6000  }
0xba: {  	[sflag:s2] =	ssyncset.done @!p0 $0x0  }
0xbb: {  	[dreg:$0xb] =	wrdreg s4;
	[sflag:s2] =	ssyncadd.s32 @!p0 $0xFFFFA000  }
0xbc: {  	s1 =	sshll.u32 s1, $0x6  }
0xbd: {  	s1 =	sand.u32 $0x3FFFFFC0, s1  }
0xbe: {  	v31 =	vld [tilespmem:s1+$0x0];
	_ =	sdelay $0x3  }
0xbf: {  	v0 =	vld [tilespmem:$0x1FF90]  }
0xc0: {  	v32 =	vshrl.u32 v31, $0x3  }
0xc1: {  	v1 =	vld [tilespmem:$0x1FFA0];
	v32 =	vmul.u32 $0x18, v32  }
0xc2: {  	v31 =	vand.u32 $0x7, v31  }
0xc3: {  	v2 =	vld [tilespmem:$0x1FFB0];
	v31 =	vor.u32 v31, v32  }
0xc4: {  	v32 =	vperm.xlane v31, v0;
	_ =	sdelay $0x1  }
0xc5: {  	v32 =	vadd.s32 v1, v32  }
0xc6: {  	s2 =	smul.u32 $0x18000, s0  }
0xc7: {  	v31 =	vperm.xlane v31, v2  }
0xc8: {  	s15 =	sadd.s32 $0x1, s0;
	s2 =	sshrl.u32 s2, $0x2  }
0xc9: {  	s4 =	rddreg [dreg:$0x1];
	s5 =	simm.s32 $0x0;
	s3 =	sor.u32 $0x400, s2;
	v31 =	vadd.s32 v1, v31  }
0xca: {  	[tilespmem:s3], [sflag:s15] =	stream.indirect_vreg.gather [hbm4b:s4+s5], $0x80, v32, vm0, $0xb8;
	[tilespmem:$0x1A580] =	vst v63  }
0xcb: {  	s6 =	rddreg [dreg:$0x7];
	s16 =	sor.u32 $0xC00, s2  }
0xcc: {  	[tilespmem:s16], [sflag:s15] =	stream.indirect_vreg.gather [hbm4b:s6+s5], $0x80, v32, vm1, $0xb8;
	[tilespmem:$0x1A580] =	vst v63  }
0xcd: {  	s17 =	sor.u32 $0x1000, s2  }
0xce: {  	[tilespmem:s17], [sflag:s15] =	stream.indirect_vreg.gather [hbm4b:s4+s5], $0x80, v31, vm0, $0xb8;
	[tilespmem:$0x1A580] =	vst v63  }
0xcf: {  	s18 =	sor.u32 $0x1800, s2  }
0xd0: {  	[tilespmem:s18], [sflag:s15] =	stream.indirect_vreg.gather [hbm4b:s6+s5], $0x80, v31, vm1, $0xb8;
	[tilespmem:$0x1A580] =	vst v63  }
0xd1: {  	v31 =	vld [tilespmem:s1+$0x10];
	_ =	sdelay $0x4  }
0xd2: {  	v61 =	vshrl.u32 v31, $0x3  }
0xd3: {  	v32 =	vmul.u32 $0x18, v61  }
0xd4: {  	v31 =	vand.u32 $0x7, v31  }
0xd5: {  	v31 =	vor.u32 v31, v32  }
0xd6: {  	v32 =	vperm.xlane v31, v0;
	_ =	sdelay $0x1  }
0xd7: {  	v32 =	vadd.s32 v1, v32;
	_ =	sdelay $0x1  }
0xd8: {  	v31 =	vperm.xlane v31, v2;
	_ =	sdelay $0x1  }
0xd9: {  	s19 =	sor.u32 $0x1C00, s2;
	v31 =	vadd.s32 v1, v31  }
0xda: {  	[tilespmem:s19], [sflag:s15] =	stream.indirect_vreg.gather [hbm4b:s4+s5], $0x80, v32, vm0, $0xb8;
	[tilespmem:$0x1A580] =	vst v63  }
0xdb: {  	s20 =	sadd.s32 $0x2400, s2  }
0xdc: {  	[tilespmem:s20], [sflag:s15] =	stream.indirect_vreg.gather [hbm4b:s6+s5], $0x80, v32, vm1, $0xb8;
	[tilespmem:$0x1A580] =	vst v63  }
0xdd: {  	s21 =	sadd.s32 $0x2800, s2  }
0xde: {  	[tilespmem:s21], [sflag:s15] =	stream.indirect_vreg.gather [hbm4b:s4+s5], $0x80, v31, vm0, $0xb8;
	[tilespmem:$0x1A580] =	vst v63  }
0xdf: {  	s22 =	sadd.s32 $0x3000, s2  }
0xe0: {  	[tilespmem:s22], [sflag:s15] =	stream.indirect_vreg.gather [hbm4b:s6+s5], $0x80, v31, vm1, $0xb8;
	[tilespmem:$0x1A580] =	vst v63  }
0xe1: {  	v31 =	vld [tilespmem:s1+$0x20];
	_ =	sdelay $0x4  }
0xe2: {  	v62 =	vshrl.u32 v31, $0x3  }
0xe3: {  	v32 =	vmul.u32 $0x18, v62  }
0xe4: {  	v31 =	vand.u32 $0x7, v31  }
0xe5: {  	v31 =	vor.u32 v31, v32  }
0xe6: {  	v32 =	vperm.xlane v31, v0;
	_ =	sdelay $0x1  }
0xe7: {  	v32 =	vadd.s32 v1, v32;
	_ =	sdelay $0x1  }
0xe8: {  	v31 =	vperm.xlane v31, v2;
	_ =	sdelay $0x1  }
0xe9: {  	s23 =	sadd.s32 $0x3400, s2;
	v31 =	vadd.s32 v1, v31  }
0xea: {  	[tilespmem:s23], [sflag:s15] =	stream.indirect_vreg.gather [hbm4b:s4+s5], $0x80, v32, vm0, $0xb8;
	[tilespmem:$0x1A580] =	vst v63  }
0xeb: {  	s24 =	sadd.s32 $0x3C00, s2  }
0xec: {  	[tilespmem:s24], [sflag:s15] =	stream.indirect_vreg.gather [hbm4b:s6+s5], $0x80, v32, vm1, $0xb8;
	[tilespmem:$0x1A580] =	vst v63  }
0xed: {  	s25 =	sadd.s32 $0x4000, s2  }
0xee: {  	[tilespmem:s25], [sflag:s15] =	stream.indirect_vreg.gather [hbm4b:s4+s5], $0x80, v31, vm0, $0xb8;
	[tilespmem:$0x1A580] =	vst v63  }
0xef: {  	s26 =	sadd.s32 $0x4800, s2  }
0xf0: {  	[tilespmem:s26], [sflag:s15] =	stream.indirect_vreg.gather [hbm4b:s6+s5], $0x80, v31, vm1, $0xb8;
	[tilespmem:$0x1A580] =	vst v63  }
0xf1: {  	v31 =	vld [tilespmem:s1+$0x30];
	_ =	sdelay $0x4  }
0xf2: {  	v63 =	vshrl.u32 v31, $0x3  }
0xf3: {  	v32 =	vmul.u32 $0x18, v63  }
0xf4: {  	v31 =	vand.u32 $0x7, v31  }
0xf5: {  	v31 =	vor.u32 v31, v32  }
0xf6: {  	v32 =	vperm.xlane v31, v0;
	_ =	sdelay $0x1  }
0xf7: {  	v32 =	vadd.s32 v1, v32;
	_ =	sdelay $0x1  }
0xf8: {  	v31 =	vperm.xlane v31, v2;
	_ =	sdelay $0x1  }
0xf9: {  	s28 =	sadd.s32 $0x4C00, s2;
	v31 =	vadd.s32 v1, v31  }
0xfa: {  	[tilespmem:s28], [sflag:s15] =	stream.indirect_vreg.gather [hbm4b:s4+s5], $0x80, v32, vm0, $0xb8;
	[tilespmem:$0x1A580] =	vst v63  }
0xfb: {  	s29 =	sadd.s32 $0x5400, s2  }
0xfc: {  	[tilespmem:s29], [sflag:s15] =	stream.indirect_vreg.gather [hbm4b:s6+s5], $0x80, v32, vm1, $0xb8;
	[tilespmem:$0x1A580] =	vst v63  }
0xfd: {  	s30 =	sadd.s32 $0x5800, s2  }
0xfe: {  	[tilespmem:s30], [sflag:s15] =	stream.indirect_vreg.gather [hbm4b:s4+s5], $0x80, v31, vm0, $0xb8;
	[tilespmem:$0x1A580] =	vst v63  }
0xff: {  	s31 =	sadd.s32 $0x6000, s2  }
0x100: {  	[tilespmem:s31], [sflag:s15] =	stream.indirect_vreg.gather [hbm4b:s6+s5], $0x80, v31, vm1, $0xb8;
	[tilespmem:$0x1A580] =	vst v63  }
.LBB2_4:
0x101: {  	s0 =	sshll.u32 s7, $0x6  }
0x102: {  	s29 =	sand.u32 $0xC0, s0  }
0x103: {  	s0 =	sadd.s32 $0x0, s29  }
0x104: {  	s0 =	sshrl.u32 s0, $0x3  }
0x105: {  	s0 =	smul.u32 $0x3000, s0;
	_ =	sdelay $0x1  }
0x106: {  	s30 =	simm.s32 $0x180;
	s0 =	sshra.s32 s0, $0x2  }
0x107: {  	s2 =	sand.u32 $0x380, s30;
	s1 =	sadd.s32 $0xC00, s0  }
0x108: {  	[dreg:$0xa] =	wrdreg s7;
	s4 =	sadd.s32 $0x800, s0;
	s28 =	sor.u32 s2, s1  }
0x109: {  	s18 =	sor.u32 s2, s4;
	v31 =	vld [tilespmem:s28+$0x20]  }
0x10a: {  	v32 =	vld [tilespmem:s18+$0x70]  }
0x10b: {  	s5 =	sadd.s32 $0x400, s0;
	v33 =	vld [tilespmem:s18+$0x40]  }
0x10c: {  	s19 =	sor.u32 s2, s5;
	v34 =	vld [tilespmem:s18+$0x10]  }
0x10d: {  	v35 =	vld [tilespmem:s19+$0x60]  }
0x10e: {  	v36 =	vld [tilespmem:s19+$0x0]  }
0x10f: {  	v37 =	vld [tilespmem:s19+$0x30]  }
0x110: {  	v38 =	vld [tilespmem:s19+$0x10]  }
0x111: {  	v39 =	vld [tilespmem:s19+$0x20]  }
0x112: {  	v40 =	vld [tilespmem:s19+$0x40]  }
0x113: {  	v41 =	vld [tilespmem:s19+$0x50]  }
0x114: {  	v42 =	vld [tilespmem:s19+$0x70]  }
0x115: {  	v43 =	vld [tilespmem:s18+$0x0]  }
0x116: {  	v44 =	vld [tilespmem:s18+$0x20]  }
0x117: {  	v45 =	vld [tilespmem:s18+$0x30]  }
0x118: {  	v46 =	vld [tilespmem:s18+$0x50]  }
0x119: {  	v47 =	vld [tilespmem:s18+$0x60]  }
0x11a: {  	v48 =	vld [tilespmem:s28+$0x0]  }
0x11b: {  	v49 =	vld [tilespmem:s28+$0x10]  }
0x11c: {  	v50 =	vld [tilespmem:s28+$0x30]  }
0x11d: {  	s7 =	simm.s32 $0x0;
	v51 =	vld [tilespmem:s28+$0x40]  }
0x11e: {  	s0 =	sand.u32 $0x200, s7;
	v52 =	vld [tilespmem:s28+$0x60]  }
0x11f: {  	s16 =	sor.u32 s0, s5;
	v53 =	vld [tilespmem:s28+$0x70]  }
0x120: {  	v54 =	vld [tilespmem:s16+$0x10];
	v36 =	vmul.f32 v36, v36  }
0x121: {  	v55 =	vld [tilespmem:s28+$0x50];
	v38 =	vmul.f32 v38, v38;
	v39 =	vmul.f32 v39, v39  }
0x122: {  	s8 =	simm.s32 $0x80;
	v56 =	vld [tilespmem:s16+$0x20];
	v40 =	vmul.f32 v40, v40;
	v41 =	vmul.f32 v41, v41  }
0x123: {  	s2 =	sand.u32 $0x280, s8;
	v57 =	vld [tilespmem:s16+$0x40];
	v37 =	vmul.f32 v37, v37;
	v42 =	vmul.f32 v42, v42  }
0x124: {  	s3 =	simm.s32 $0x100;
	s15 =	sor.u32 s2, s5;
	v58 =	vld [tilespmem:s16+$0x50];
	v62 =	vmul.f32 v43, v43;
	v35 =	vmul.f32 v35, v35  }
0x125: {  	s3 =	sand.u32 $0x300, s3;
	v63 =	vmul.f32 v44, v44;
	v43 =	vld [tilespmem:s15+$0x20];
	v59 =	vmul.f32 v45, v45  }
0x126: {  	s14 =	sor.u32 s3, s5;
	v34 =	vmul.f32 v34, v34;
	v60 =	vmul.f32 v46, v46;
	v44 =	vld [tilespmem:s15+$0x50]  }
0x127: {  	v33 =	vmul.f32 v33, v33;
	v45 =	vld [tilespmem:s14+$0x20];
	v38 =	vadd.f32 v40, v38;
	v39 =	vadd.f32 v41, v39  }
0x128: {  	v46 =	vld [tilespmem:s14+$0x50];
	v54 =	vmul.f32 v54, v54;
	v57 =	vmul.f32 v57, v57;
	v36 =	vadd.f32 v37, v36  }
0x129: {  	v32 =	vmul.f32 v32, v32;
	v41 =	vld [tilespmem:s15+$0x10];
	v38 =	vadd.f32 v42, v38;
	v39 =	vadd.f32 v62, v39  }
0x12a: {  	s9 =	sor.u32 s2, s4;
	v31 =	vmul.f32 v31, v31;
	v40 =	vld [tilespmem:s14+$0x10];
	v54 =	vadd.f32 v57, v54;
	v35 =	vadd.f32 v35, v36  }
0x12b: {  	v57 =	vld [tilespmem:s9+$0x30];
	v62 =	vmul.f32 v47, v47;
	v37 =	vadd.f32 v63, v38;
	v61 =	vadd.f32 v59, v39  }
0x12c: {  	v42 =	vld [tilespmem:s15+$0x40];
	v43 =	vmul.f32 v43, v43;
	v34 =	vadd.f32 v34, v35;
	v63 =	vmul.f32 v48, v48  }
0x12d: {  	v47 =	vld [tilespmem:s16+$0x30];
	v59 =	vmul.f32 v49, v49;
	v36 =	vadd.f32 v60, v37;
	v48 =	vadd.f32 v62, v61  }
0x12e: {  	v44 =	vmul.f32 v44, v44;
	v39 =	vld [tilespmem:s14+$0x40];
	v33 =	vadd.f32 v33, v34;
	v60 =	vmul.f32 v50, v50  }
0x12f: {  	v38 =	vld [tilespmem:s16+$0x0];
	v62 =	vmul.f32 v51, v51;
	v35 =	vadd.f32 v63, v36;
	v61 =	vadd.f32 v59, v48  }
0x130: {  	s6 =	sor.u32 s0, s4;
	v49 =	vld [tilespmem:s14+$0x30];
	v43 =	vadd.f32 v44, v43;
	v32 =	vadd.f32 v32, v33;
	v63 =	vmul.f32 v52, v52  }
0x131: {  	v44 =	vld [tilespmem:s6+$0x60];
	v59 =	vmul.f32 v53, v53;
	v34 =	vadd.f32 v60, v35;
	v52 =	vadd.f32 v62, v61  }
0x132: {  	v37 =	vld [tilespmem:s16+$0x70];
	v31 =	vadd.f32 v31, v32  }
0x133: {  	v51 =	vld [tilespmem:s14+$0x70];
	v60 =	vmul.f32 v55, v55;
	v33 =	vadd.f32 v63, v34;
	v61 =	vadd.f32 v59, v52  }
0x134: {  	v50 =	vld [tilespmem:s16+$0x60]  }
0x135: {  	v36 =	vld [tilespmem:s15+$0x30];
	v31 =	vadd.f32 v60, v31;
	v33 =	vadd.f32 v61, v33  }
0x136: {  	v41 =	vmul.f32 v41, v41;
	v42 =	vmul.f32 v42, v42;
	v48 =	vld [tilespmem:s9+$0x0]  }
0x137: {  	v53 =	vld [tilespmem:s6+$0x20];
	v31 =	vadd.f32 v33, v31  }
0x138: {  	v41 =	vadd.f32 v42, v41;
	v42 =	vld [tilespmem:s9+$0x10]  }
0x139: {  	v32 =	vld [tilespmem:s6+$0x0];
	v62 =	vperm.xlane v31, v3  }
0x13a: {  	v35 =	vld [tilespmem:s15+$0x0]  }
0x13b: {  	s4 =	sor.u32 s3, s4;
	v34 =	vld [tilespmem:s15+$0x70];
	v31 =	vadd.f32 v31, v62  }
0x13c: {  	v56 =	vmul.f32 v56, v56;
	v52 =	vld [tilespmem:s4+$0x0]  }
0x13d: {  	v58 =	vmul.f32 v58, v58;
	v59 =	vld [tilespmem:s6+$0x30];
	v55 =	vperm.xlane v31, v4  }
0x13e: {  	v40 =	vmul.f32 v40, v40;
	v37 =	vmul.f32 v37, v37;
	v60 =	vld [tilespmem:s15+$0x60]  }
0x13f: {  	v39 =	vmul.f32 v39, v39;
	v63 =	vmul.f32 v45, v45;
	v45 =	vld [tilespmem:s4+$0x20];
	v31 =	vadd.f32 v31, v55  }
0x140: {  	v56 =	vadd.f32 v58, v56;
	v46 =	vmul.f32 v46, v46;
	v37 =	vadd.f32 v37, v54;
	v54 =	vld [tilespmem:s9+$0x50]  }
0x141: {  	v39 =	vadd.f32 v39, v40;
	v53 =	vmul.f32 v53, v53;
	v61 =	vld [tilespmem:s14+$0x60];
	v58 =	vperm.xlane v31, v5  }
0x142: {  	s0 =	sor.u32 s0, s1;
	v36 =	vmul.f32 v36, v36;
	v40 =	vadd.f32 v46, v63;
	v46 =	vld [tilespmem:s6+$0x50];
	v32 =	vmul.f32 v32, v32  }
0x143: {  	v35 =	vmul.f32 v35, v35;
	v37 =	vadd.f32 v53, v37;
	v53 =	vld [tilespmem:s0+$0x10];
	v31 =	vadd.f32 v31, v58  }
0x144: {  	v33 =	vld [tilespmem:s14+$0x0];
	v32 =	vadd.f32 v32, v56;
	v56 =	vmul.f32 v48, v48  }
0x145: {  	v34 =	vmul.f32 v34, v34;
	v35 =	vadd.f32 v36, v35;
	v48 =	vld [tilespmem:s9+$0x60];
	v63 =	vperm.xlane v31, v6  }
0x146: {  	v60 =	vmul.f32 v60, v60;
	v36 =	vadd.f32 v56, v43;
	v43 =	vmul.f32 v51, v51;
	v51 =	vld [tilespmem:s4+$0x50]  }
0x147: {  	s2 =	sor.u32 s2, s1;
	v34 =	vadd.f32 v34, v41;
	v41 =	vmul.f32 v52, v52;
	v52 =	vld [tilespmem:s4+$0x60];
	v31 =	vadd.f32 v31, v63  }
0x148: {  	v38 =	vmul.f32 v38, v38;
	v35 =	vadd.f32 v60, v35;
	v60 =	vld [tilespmem:s2+$0x10]  }
0x149: {  	v62 =	vmul.f32 v47, v47;
	v47 =	vld [tilespmem:s6+$0x10];
	v31 =	vmul.f32 $2.604166740e-03, v31  }
0x14a: {  	v33 =	vmul.f32 v33, v33;
	v39 =	vadd.f32 v43, v39;
	v43 =	vmul.f32 v59, v59;
	v59 =	vld [tilespmem:s0+$0x0]  }
0x14b: {  	v38 =	vadd.f32 v62, v38;
	v62 =	vmul.f32 v49, v49;
	v49 =	vld [tilespmem:s4+$0x10];
	v31 =	vadd.f32 $9.999999970e-07, v31  }
0x14c: {  	v50 =	vmul.f32 v50, v50;
	v55 =	vld [tilespmem:s9+$0x20]  }
0x14d: {  	v33 =	vadd.f32 v62, v33;
	v58 =	vld [tilespmem:s4+$0x30];
	v56 =	vshra.s32 v31, $0x1;
	v31 =	vmul.f32 $5.000000000e-01, v31  }
0x14e: {  	v62 =	vld [tilespmem:s6+$0x40];
	v38 =	vadd.f32 v50, v38;
	v50 =	vmul.f32 v57, v57;
	v56 =	vsub.s32 $0x5F3759DF, v56  }
0x14f: {  	v40 =	vadd.f32 v41, v40;
	v57 =	vld [tilespmem:s2+$0x0];
	v41 =	vmul.f32 v56, v31  }
0x150: {  	v32 =	vadd.f32 v43, v32;
	v43 =	vmul.f32 v61, v61;
	v36 =	vadd.f32 v50, v36;
	v50 =	vld [tilespmem:s4+$0x40]  }
0x151: {  	s31 =	sor.u32 s3, s1;
	v63 =	vmul.f32 v55, v55;
	v55 =	vld [tilespmem:s9+$0x40];
	v41 =	vmul.f32 v56, v41  }
0x152: {  	v47 =	vmul.f32 v47, v47;
	v61 =	vmul.f32 v58, v58;
	v58 =	vld [tilespmem:s31+$0x0]  }
0x153: {  	v34 =	vadd.f32 v63, v34;
	v63 =	vmul.f32 v46, v46;
	v46 =	vld [tilespmem:s31+$0x10];
	[dreg:$0xf] =	wrdreg s6;
	v41 =	vsub.f32 $1.500000000e+00, v41  }
0x154: {  	v40 =	vadd.f32 v61, v40;
	v61 =	vmul.f32 v44, v44;
	v44 =	vld [tilespmem:s6+$0x70]  }
0x155: {  	s10 =	sadd.s32 $0x4, s29;
	v48 =	vmul.f32 v48, v48;
	v38 =	vadd.f32 v47, v38;
	v47 =	vld [tilespmem:s0+$0x30];
	v41 =	vmul.f32 v56, v41  }
0x156: {  	s1 =	sshrl.u32 s10, $0x3;
	v45 =	vmul.f32 v45, v45;
	v33 =	vadd.f32 v43, v33;
	v43 =	vmul.f32 v54, v54;
	v54 =	vld [tilespmem:s0+$0x40];
	[dreg:$0xe] =	wrdreg s9  }
0x157: {  	s1 =	smul.u32 $0x3000, s1;
	v36 =	vadd.f32 v48, v36;
	v37 =	vadd.f32 v63, v37;
	v48 =	vld [tilespmem:s2+$0x30];
	v63 =	vmul.f32 v41, v31  }
0x158: {  	v42 =	vmul.f32 v42, v42;
	v39 =	vadd.f32 v45, v39;
	v56 =	vmul.f32 v51, v51;
	v51 =	vld [tilespmem:s2+$0x40]  }
0x159: {  	s20 =	simm.s32 $0x380;
	s11 =	sshra.s32 s1, $0x2;
	v32 =	vadd.f32 v61, v32;
	v61 =	vmul.f32 v63, v41;
	v63 =	vmul.f32 v49, v49;
	v49 =	vld [tilespmem:s9+$0x70];
	[dreg:$0xd] =	wrdreg s4  }
0x15a: {  	s12 =	sand.u32 $0x380, s20;
	s13 =	sadd.s32 $0x800, s11;
	v39 =	vadd.f32 v56, v39;
	v56 =	vld [tilespmem:s4+$0x70]  }
0x15b: {  	s8 =	sor.u32 s12, s13;
	v35 =	vadd.f32 v42, v35;
	v45 =	vld [tilespmem:s31+$0x30]  }
0x15c: {  	v34 =	vadd.f32 v43, v34;
	v43 =	vld [tilespmem:s8+$0x70];
	v42 =	vsub.f32 $1.500000000e+00, v61  }
0x15d: {  	v33 =	vadd.f32 v63, v33;
	v63 =	vmul.f32 v52, v52;
	v61 =	vmul.f32 v62, v62;
	v52 =	vld [tilespmem:s31+$0x40]  }
0x15e: {  	v62 =	vmul.f32 v59, v59;
	v59 =	vmul.f32 v55, v55;
	v55 =	vld [tilespmem:s0+$0x20]  }
0x15f: {  	v38 =	vadd.f32 v61, v38;
	v61 =	vmul.f32 v57, v57;
	v57 =	vld [tilespmem:s0+$0x60]  }
0x160: {  	v41 =	vmul.f32 v42, v41;
	v40 =	vadd.f32 v63, v40;
	v63 =	vmul.f32 v53, v53;
	v42 =	vld [tilespmem:s8+$0x10]  }
0x161: {  	v37 =	vadd.f32 v62, v37;
	v62 =	vmul.f32 v60, v60;
	v53 =	vmul.f32 v49, v49;
	v49 =	vld [tilespmem:s2+$0x70]  }
0x162: {  	v34 =	vadd.f32 v61, v34;
	v61 =	vmul.f32 v46, v46;
	v46 =	vld [tilespmem:s0+$0x70]  }
0x163: {  	v47 =	vmul.f32 v47, v47;
	v36 =	vadd.f32 v62, v36;
	v62 =	vmul.f32 v44, v44;
	v44 =	vld [tilespmem:s2+$0x20]  }
0x164: {  	v60 =	vmul.f32 v58, v58;
	v32 =	vadd.f32 v63, v32;
	v63 =	vmul.f32 v50, v50;
	v50 =	vld [tilespmem:s2+$0x60]  }
0x165: {  	s21 =	sadd.s32 $0x400, s11;
	v48 =	vmul.f32 v48, v48;
	v35 =	vadd.f32 v59, v35;
	v37 =	vadd.f32 v47, v37;
	v47 =	vld [tilespmem:s31+$0x20]  }
0x166: {  	s4 =	sor.u32 s12, s21;
	v39 =	vadd.f32 v60, v39;
	v58 =	vmul.f32 v56, v56;
	v59 =	vmul.f32 v45, v45;
	v56 =	vld [tilespmem:s31+$0x50]  }
0x167: {  	v31 =	vmul.f32 v41, v31;
	v45 =	vld [tilespmem:s4+$0x10];
	v35 =	vadd.f32 v53, v35;
	v60 =	vmul.f32 v52, v52  }
0x168: {  	v52 =	vld [tilespmem:s4+$0x0];
	v33 =	vadd.f32 v63, v33;
	v40 =	vadd.f32 v61, v40;
	v63 =	vmul.f32 v54, v54  }
0x169: {  	v38 =	vadd.f32 v62, v38;
	v54 =	vmul.f32 v51, v51;
	v34 =	vadd.f32 v48, v34;
	v48 =	vld [tilespmem:s31+$0x60]  }
0x16a: {  	v51 =	vld [tilespmem:s31+$0x70];
	v39 =	vadd.f32 v59, v39;
	v31 =	vmul.f32 v31, v41;
	v32 =	vadd.f32 v63, v32  }
0x16b: {  	s1 =	sadd.s32 $0xC00, s11;
	v62 =	vld [tilespmem:s0+$0x50];
	v61 =	vmul.f32 v57, v57;
	v36 =	vadd.f32 v54, v36;
	v33 =	vadd.f32 v58, v33  }
0x16c: {  	s17 =	sor.u32 s12, s1;
	v63 =	vmul.f32 v55, v55;
	v40 =	vadd.f32 v60, v40;
	v54 =	vld [tilespmem:s2+$0x50];
	v58 =	vmul.f32 v49, v49  }
0x16d: {  	v49 =	vld [tilespmem:s17+$0x20];
	v31 =	vsub.f32 $1.500000000e+00, v31;
	v46 =	vmul.f32 v46, v46;
	v37 =	vadd.f32 v61, v37  }
0x16e: {  	v55 =	vmul.f32 v44, v44;
	v57 =	vmul.f32 v50, v50;
	v36 =	vadd.f32 v58, v36;
	v58 =	vld [tilespmem:s8+$0x0]  }
0x16f: {  	v59 =	vmul.f32 v47, v47;
	v44 =	vmul.f32 v56, v56;
	v32 =	vadd.f32 v46, v32;
	v46 =	vld [tilespmem:s8+$0x40]  }
0x170: {  	v38 =	vadd.f32 v63, v38;
	v35 =	vadd.f32 v55, v35;
	v60 =	vmul.f32 v62, v62;
	v55 =	vld [tilespmem:s4+$0x20]  }
0x171: {  	v34 =	vadd.f32 v57, v34;
	v61 =	vmul.f32 v48, v48;
	v33 =	vadd.f32 v59, v33;
	v59 =	vld [tilespmem:s8+$0x20]  }
0x172: {  	v63 =	vmul.f32 v51, v51;
	v32 =	vadd.f32 v32, v37;
	v51 =	vadd.f32 v60, v38;
	v38 =	vld [tilespmem:s4+$0x60]  }
0x173: {  	v62 =	vmul.f32 v54, v54;
	v34 =	vadd.f32 v36, v34;
	v39 =	vadd.f32 v61, v39;
	v36 =	vld [tilespmem:s4+$0x30]  }
0x174: {  	v45 =	vmul.f32 v45, v45;
	v40 =	vadd.f32 v63, v40;
	v33 =	vadd.f32 v44, v33;
	v61 =	vld [tilespmem:s4+$0x40]  }
0x175: {  	v37 =	vmul.f32 v52, v52;
	v35 =	vadd.f32 v62, v35;
	v32 =	vadd.f32 v32, v51;
	v62 =	vld [tilespmem:s4+$0x50]  }
0x176: {  	v63 =	vld [tilespmem:s4+$0x70];
	v53 =	vadd.f32 v40, v39;
	v40 =	vmul.f32 v55, v55;
	v55 =	vmul.f32 v59, v59  }
0x177: {  	v44 =	vld [tilespmem:s8+$0x60];
	v59 =	vmul.f32 v42, v42;
	v52 =	vmul.f32 v46, v46;
	v35 =	vadd.f32 v34, v35  }
0x178: {  	v51 =	vld [tilespmem:s17+$0x60];
	v54 =	vperm.xlane v32, v3;
	v34 =	vmul.f32 v31, v41  }
0x179: {  	v33 =	vadd.f32 v53, v33;
	v53 =	vld [tilespmem:s17+$0x0];
	v61 =	vmul.f32 v61, v61;
	v60 =	vperm.xlane v35, v3  }
0x17a: {  	s23 =	simm.s32 $0x280;
	v36 =	vmul.f32 v36, v36;
	v32 =	vadd.f32 v32, v54;
	v39 =	vmul.f32 v62, v62;
	v62 =	vld [tilespmem:s8+$0x50]  }
0x17b: {  	s5 =	sand.u32 $0x280, s23;
	v56 =	vperm.xlane v33, v3;
	v54 =	vmul.f32 v38, v38;
	v31 =	vadd.f32 v35, v60;
	v60 =	vld [tilespmem:s8+$0x30]  }
0x17c: {  	s11 =	sor.u32 s5, s21;
	v41 =	vadd.f32 v61, v45;
	v36 =	vadd.f32 v36, v37;
	v61 =	vld [tilespmem:s17+$0x40];
	v57 =	vperm.xlane v32, v4  }
0x17d: {  	v37 =	vld [tilespmem:s11+$0x20];
	v33 =	vadd.f32 v33, v56;
	v35 =	vmul.f32 v63, v63;
	v63 =	vmul.f32 v58, v58  }
0x17e: {  	s22 =	simm.s32 $0x200;
	v56 =	vld [tilespmem:s17+$0x10];
	v39 =	vadd.f32 v39, v40;
	v36 =	vadd.f32 v54, v36;
	v53 =	vmul.f32 v53, v53  }
0x17f: {  	s4 =	sand.u32 $0x200, s22;
	v58 =	vld [tilespmem:s17+$0x30];
	v40 =	vmul.f32 v51, v51;
	v50 =	vperm.xlane v31, v4;
	v32 =	vadd.f32 v32, v57  }
0x180: {  	s24 =	simm.s32 $0x300;
	s10 =	sor.u32 s4, s21;
	v54 =	vld [tilespmem:s17+$0x70];
	v35 =	vadd.f32 v35, v41;
	v39 =	vadd.f32 v63, v39;
	v57 =	vmul.f32 v60, v60  }
0x181: {  	s6 =	sand.u32 $0x300, s24;
	v51 =	vperm.xlane v33, v4;
	v63 =	vmul.f32 v44, v44;
	v36 =	vadd.f32 v59, v36;
	v59 =	vld [tilespmem:s10+$0x20]  }
0x182: {  	s3 =	sor.u32 s6, s13;
	v35 =	vadd.f32 v55, v35;
	v55 =	vld [tilespmem:s10+$0x10];
	v60 =	vmul.f32 v62, v62;
	v62 =	vadd.f32 v57, v39  }
0x183: {  	v31 =	vadd.f32 v31, v50;
	v33 =	vadd.f32 v33, v51;
	v51 =	vld [tilespmem:s3+$0x30];
	v56 =	vmul.f32 v56, v56  }
0x184: {  	v41 =	vmul.f32 v58, v58;
	v58 =	vld [tilespmem:s17+$0x50];
	v35 =	vadd.f32 v60, v35;
	v38 =	vadd.f32 v63, v62  }
0x185: {  	v37 =	vmul.f32 v37, v37;
	v36 =	vadd.f32 v52, v36;
	v52 =	vld [tilespmem:s11+$0x10];
	v57 =	vmul.f32 v43, v43  }
0x186: {  	s17 =	sor.u32 s6, s21;
	v60 =	vmul.f32 v61, v61;
	v61 =	vld [tilespmem:s10+$0x40];
	v35 =	vadd.f32 v53, v35;
	v38 =	vadd.f32 v56, v38  }
0x187: {  	v47 =	vld [tilespmem:s17+$0x0];
	v36 =	vadd.f32 v57, v36;
	v62 =	vmul.f32 v49, v49;
	v49 =	vmul.f32 v54, v54  }
0x188: {  	v63 =	vld [tilespmem:s10+$0x50];
	v53 =	vmul.f32 v55, v55;
	v35 =	vadd.f32 v41, v35;
	v38 =	vadd.f32 v60, v38  }
0x189: {  	v54 =	vperm.xlane v32, v5;
	v57 =	vld [tilespmem:s11+$0x50];
	v42 =	vmul.f32 v58, v58;
	v36 =	vadd.f32 v62, v36  }
0x18a: {  	v55 =	vld [tilespmem:s11+$0x40];
	v58 =	vmul.f32 v59, v59;
	v35 =	vadd.f32 v40, v35;
	v38 =	vadd.f32 v49, v38  }
0x18b: {  	v56 =	vperm.xlane v31, v5;
	v32 =	vadd.f32 v32, v54;
	v59 =	vmul.f32 v61, v61;
	v61 =	vld [tilespmem:s17+$0x20]  }
0x18c: {  	v51 =	vmul.f32 v51, v51;
	v36 =	vadd.f32 v42, v36;
	v42 =	vld [tilespmem:s17+$0x10];
	v35 =	vadd.f32 v38, v35  }
0x18d: {  	v62 =	vperm.xlane v33, v5;
	v47 =	vmul.f32 v47, v47;
	v31 =	vadd.f32 v31, v56;
	v56 =	vld [tilespmem:s10+$0x0]  }
0x18e: {  	v39 =	vadd.f32 v59, v53;
	v57 =	vmul.f32 v57, v57;
	v59 =	vld [tilespmem:s10+$0x30];
	v35 =	vadd.f32 v35, v36  }
0x18f: {  	s25 =	sor.u32 s4, s13;
	v33 =	vadd.f32 v33, v62;
	v60 =	vmul.f32 v63, v63;
	v63 =	vmul.f32 v52, v52;
	v53 =	vld [tilespmem:s17+$0x50]  }
0x190: {  	v62 =	vld [tilespmem:s25+$0x0];
	v55 =	vmul.f32 v55, v55;
	v37 =	vadd.f32 v57, v37;
	v54 =	vperm.xlane v35, v3  }
0x191: {  	v52 =	vld [tilespmem:s17+$0x40];
	v38 =	vadd.f32 v60, v58;
	v58 =	vperm.xlane v32, v6;
	v44 =	vmul.f32 v61, v61  }
0x192: {  	v60 =	vld [tilespmem:s10+$0x70];
	v61 =	vperm.xlane v31, v6;
	v42 =	vmul.f32 v42, v42;
	v35 =	vadd.f32 v35, v54  }
0x193: {  	v41 =	vmul.f32 v56, v56;
	v56 =	vld [tilespmem:s11+$0x30];
	v36 =	vadd.f32 v55, v63;
	v57 =	vmul.f32 v59, v59  }
0x194: {  	v32 =	vadd.f32 v32, v58;
	v43 =	vmul.f32 v53, v53;
	v58 =	vld [tilespmem:s11+$0x70];
	v63 =	vperm.xlane v35, v4  }
0x195: {  	v31 =	vadd.f32 v31, v61;
	v55 =	vperm.xlane v33, v6;
	v41 =	vadd.f32 v57, v41;
	v57 =	vld [tilespmem:s17+$0x70]  }
0x196: {  	s26 =	sor.u32 s5, s13;
	v45 =	vmul.f32 v52, v52;
	v43 =	vadd.f32 v43, v44;
	v54 =	vld [tilespmem:s11+$0x0];
	v35 =	vadd.f32 v35, v63  }
0x197: {  	v33 =	vadd.f32 v33, v55;
	v44 =	vld [tilespmem:s26+$0x0];
	v31 =	vmul.f32 $2.604166740e-03, v31;
	v40 =	vmul.f32 v60, v60  }
0x198: {  	v42 =	vadd.f32 v45, v42;
	v55 =	vld [tilespmem:s25+$0x10];
	v60 =	vmul.f32 v62, v62;
	v59 =	vperm.xlane v35, v5  }
0x199: {  	v32 =	vmul.f32 $2.604166740e-03, v32;
	v62 =	vld [tilespmem:s17+$0x30];
	v33 =	vmul.f32 $2.604166740e-03, v33;
	v48 =	vadd.f32 $9.999999970e-07, v31  }
0x19a: {  	v38 =	vadd.f32 v60, v38;
	v60 =	vld [tilespmem:s25+$0x20];
	v31 =	vmul.f32 v57, v57;
	v35 =	vadd.f32 v35, v59  }
0x19b: {  	v32 =	vadd.f32 $9.999999970e-07, v32;
	v57 =	vld [tilespmem:s26+$0x20];
	v63 =	vmul.f32 v56, v56;
	v61 =	vmul.f32 v54, v54  }
0x19c: {  	v39 =	vadd.f32 v40, v39;
	v49 =	vmul.f32 v58, v58;
	v56 =	vld [tilespmem:s3+$0x0];
	v58 =	vperm.xlane v35, v6  }
0x19d: {  	v33 =	vadd.f32 $9.999999970e-07, v33;
	v50 =	vshra.s32 v32, $0x1;
	v40 =	vadd.f32 v63, v61;
	v61 =	vld [tilespmem:s25+$0x30]  }
0x19e: {  	v44 =	vmul.f32 v44, v44;
	v55 =	vmul.f32 v55, v55;
	v63 =	vld [tilespmem:s11+$0x60];
	v35 =	vadd.f32 v35, v58  }
0x19f: {  	v62 =	vmul.f32 v62, v62;
	v42 =	vadd.f32 v31, v42;
	v31 =	vmul.f32 $5.000000000e-01, v32;
	v59 =	vld [tilespmem:s10+$0x60]  }
0x1a0: {  	v36 =	vadd.f32 v49, v36;
	v45 =	vmul.f32 v60, v60;
	v60 =	vld [tilespmem:s17+$0x60];
	v35 =	vmul.f32 $2.604166740e-03, v35  }
0x1a1: {  	v53 =	vld [tilespmem:s25+$0x60];
	v37 =	vadd.f32 v44, v37;
	v32 =	vmul.f32 $5.000000000e-01, v48;
	v57 =	vmul.f32 v57, v57  }
0x1a2: {  	v44 =	vadd.f32 v62, v47;
	v47 =	vld [tilespmem:s3+$0x20];
	v58 =	vmul.f32 v56, v56;
	v35 =	vadd.f32 $9.999999970e-07, v35  }
0x1a3: {  	v36 =	vadd.f32 v57, v36;
	v57 =	vld [tilespmem:s26+$0x60];
	v61 =	vmul.f32 v61, v61;
	v63 =	vmul.f32 v63, v63  }
0x1a4: {  	v52 =	vmul.f32 v59, v59;
	v59 =	vld [tilespmem:s26+$0x30];
	v62 =	vshra.s32 v35, $0x1;
	v35 =	vmul.f32 $5.000000000e-01, v35  }
0x1a5: {  	v60 =	vmul.f32 v60, v60;
	v38 =	vadd.f32 v61, v38;
	v61 =	vld [tilespmem:s26+$0x10];
	v49 =	vsub.s32 $0x5F3759DF, v62  }
0x1a6: {  	v43 =	vadd.f32 v58, v43;
	v40 =	vadd.f32 v63, v40;
	v63 =	vld [tilespmem:s26+$0x50];
	v58 =	vmul.f32 v49, v35  }
0x1a7: {  	v44 =	vadd.f32 v60, v44;
	v60 =	vmul.f32 v53, v53;
	v41 =	vadd.f32 v52, v41;
	v52 =	vld [tilespmem:s25+$0x50]  }
0x1a8: {  	s21 =	sor.u32 s4, s1;
	v39 =	vadd.f32 v45, v39;
	v43 =	vadd.f32 v51, v43;
	v51 =	vld [tilespmem:s3+$0x50];
	v46 =	vmul.f32 v49, v58  }
0x1a9: {  	v56 =	vld [tilespmem:s21+$0x0];
	v38 =	vadd.f32 v60, v38;
	v60 =	vmul.f32 v57, v57;
	v41 =	vadd.f32 v55, v41  }
0x1aa: {  	v53 =	vld [tilespmem:s3+$0x60];
	v59 =	vmul.f32 v59, v59;
	v62 =	vmul.f32 v47, v47;
	v46 =	vsub.f32 $1.500000000e+00, v46  }
0x1ab: {  	v57 =	vld [tilespmem:s21+$0x10];
	v47 =	vshra.s32 v48, $0x1;
	v61 =	vmul.f32 v61, v61;
	v63 =	vmul.f32 v63, v63  }
0x1ac: {  	s22 =	sor.u32 s5, s1;
	v48 =	vld [tilespmem:s3+$0x10];
	v37 =	vadd.f32 v59, v37;
	v59 =	vmul.f32 v52, v52;
	v46 =	vmul.f32 v49, v46  }
0x1ad: {  	v52 =	vshra.s32 v33, $0x1;
	v40 =	vadd.f32 v61, v40;
	v61 =	vmul.f32 v51, v51;
	v51 =	vld [tilespmem:s22+$0x0]  }
0x1ae: {  	v55 =	vld [tilespmem:s25+$0x40];
	v33 =	vmul.f32 $5.000000000e-01, v33;
	v42 =	vadd.f32 v62, v42;
	v62 =	vmul.f32 v46, v35  }
0x1af: {  	v36 =	vadd.f32 v63, v36;
	v63 =	vmul.f32 v53, v53;
	v58 =	vsub.s32 $0x5F3759DF, v50;
	v50 =	vld [tilespmem:s3+$0x40]  }
0x1b0: {  	v53 =	vsub.s32 $0x5F3759DF, v47;
	v52 =	vsub.s32 $0x5F3759DF, v52;
	v49 =	vld [tilespmem:s26+$0x40];
	v54 =	vmul.f32 v62, v46  }
0x1b1: {  	v37 =	vadd.f32 v60, v37;
	v60 =	vmul.f32 v56, v56;
	v56 =	vld [tilespmem:s25+$0x70];
	v43 =	vadd.f32 v63, v43  }
0x1b2: {  	v48 =	vmul.f32 v48, v48;
	v63 =	vmul.f32 v51, v51;
	v51 =	vld [tilespmem:s21+$0x30];
	v62 =	vsub.f32 $1.500000000e+00, v54  }
0x1b3: {  	s10 =	sor.u32 s6, s1;
	v39 =	vadd.f32 v59, v39;
	v42 =	vadd.f32 v61, v42;
	v61 =	vmul.f32 v57, v57;
	v54 =	vld [tilespmem:s22+$0x10]  }
0x1b4: {  	v59 =	vmul.f32 v55, v55;
	v44 =	vadd.f32 v48, v44;
	v48 =	vld [tilespmem:s10+$0x0];
	v45 =	vmul.f32 v62, v46  }
0x1b5: {  	v55 =	vmul.f32 v58, v31;
	v47 =	vadd.f32 v61, v38;
	v62 =	vmul.f32 v49, v49;
	v49 =	vld [tilespmem:s10+$0x10]  }
0x1b6: {  	v61 =	vmul.f32 v50, v50;
	v50 =	vld [tilespmem:s26+$0x70];
	v36 =	vadd.f32 v63, v36;
	v35 =	vmul.f32 v45, v35  }
0x1b7: {  	v63 =	vmul.f32 v51, v51;
	v51 =	vld [tilespmem:s3+$0x70];
	v57 =	vadd.f32 v62, v40;
	v62 =	vmul.f32 v58, v55  }
0x1b8: {  	v46 =	vadd.f32 v60, v39;
	v55 =	vld [tilespmem:s10+$0x40];
	v60 =	vmul.f32 v54, v54;
	v35 =	vmul.f32 v35, v45  }
0x1b9: {  	v41 =	vadd.f32 v59, v41;
	v59 =	vadd.f32 v61, v44;
	v39 =	vmul.f32 v48, v48;
	v54 =	vld [tilespmem:s21+$0x40]  }
0x1ba: {  	v37 =	vadd.f32 v60, v37;
	v60 =	vld [tilespmem:s22+$0x30];
	v38 =	vmul.f32 v49, v49;
	v35 =	vsub.f32 $1.500000000e+00, v35  }
0x1bb: {  	v48 =	vmul.f32 v52, v33;
	v40 =	vmul.f32 v53, v32;
	v61 =	vadd.f32 v39, v42;
	v49 =	vld [tilespmem:s21+$0x60]  }
0x1bc: {  	v39 =	vadd.f32 v38, v43;
	v45 =	vmul.f32 v35, v45;
	v35 =	vmul.f32 v56, v56;
	v56 =	vld [tilespmem:s22+$0x40]  }
0x1bd: {  	v43 =	vmul.f32 v53, v40;
	v40 =	vadd.f32 v63, v46;
	v46 =	vmul.f32 v50, v50;
	v50 =	vld [tilespmem:s21+$0x70]  }
0x1be: {  	s3 =	simm.s32 $0x18680;
	v38 =	vadd.f32 v35, v41;
	v35 =	vmul.f32 v54, v54;
	v54 =	vld [tilespmem:s10+$0x30]  }
0x1bf: {  	s7 =	simm.s32 $0x18880;
	[tilespmem:s3+$0x80] =	vst v34;
	v42 =	vadd.f32 v46, v57;
	v57 =	vmul.f32 v51, v51;
	v51 =	vld [tilespmem:s22+$0x70];
	v41 =	vmul.f32 v52, v48  }
0x1c0: {  	v48 =	vsub.f32 $1.500000000e+00, v62;
	v62 =	vld [tilespmem:s21+$0x20];
	[tilespmem:s7+$0x80] =	vst v45;
	v44 =	vadd.f32 v35, v47;
	v47 =	vmul.f32 v60, v60  }
0x1c1: {  	v7 =	vld [tilespmem:$0x1FEE0];
	v60 =	vsub.f32 $1.500000000e+00, v43;
	v63 =	vmul.f32 v56, v56  }
0x1c2: {  	v17 =	vld [tilespmem:$0x1FEF0];
	v56 =	vsub.f32 $1.500000000e+00, v41;
	v41 =	vadd.f32 v47, v36;
	v36 =	vmul.f32 v58, v48  }
0x1c3: {  	v47 =	vld [tilespmem:s22+$0x20];
	v35 =	vmul.f32 v53, v60;
	v43 =	vadd.f32 v63, v37;
	v63 =	vmul.f32 v54, v54  }
0x1c4: {  	v46 =	vadd.f32 v57, v59;
	v48 =	vld [tilespmem:s22+$0x60];
	v53 =	vmul.f32 v55, v55;
	v34 =	vmul.f32 v52, v56  }
0x1c5: {  	s23 =	simm.s32 $0x4;
	s17 =	simm.s32 $0x18680;
	s11 =	simm.s32 $0x0;
	v30 =	vld [tilespmem:$0x1FF00];
	v52 =	vmul.f32 v62, v62;
	v37 =	vmul.f32 v36, v31;
	v45 =	vadd.f32 v63, v61  }
.LBB2_5:
0x1c6: {  	s23 =	sadd.s32 $0x4, s23;
	v49 =	vmul.f32 v49, v49;
	v54 =	vld [tilespmem:s10+$0x20];
	v39 =	vadd.f32 v53, v39;
	v53 =	vmul.f32 v35, v32  }
0x1c7: {  	v55 =	vmul.f32 v34, v33;
	s1 =	sadd.s32 s29, s23;
	p0 =	slt.u32 s23, $0x3C;
	v38 =	vadd.f32 v52, v38;
	v50 =	vmul.f32 v50, v50;
	v52 =	vld [tilespmem:s10+$0x60]  }
0x1c8: {  	v37 =	vmul.f32 v37, v36;
	s1 =	sshrl.u32 s1, $0x3;
	v40 =	vadd.f32 v49, v40;
	v47 =	vmul.f32 v47, v47;
	v49 =	vld [tilespmem:s10+$0x70]  }
0x1c9: {  	s1 =	smul.u32 $0x3000, s1;
	v56 =	vld [tilespmem:s21+$0x50];
	v44 =	vadd.f32 v50, v44;
	v48 =	vmul.f32 v48, v48;
	v50 =	vmul.f32 v53, v35  }
0x1ca: {  	v53 =	vmul.f32 v55, v34;
	v42 =	vadd.f32 v47, v42;
	v47 =	vld [tilespmem:s22+$0x50];
	v51 =	vmul.f32 v51, v51  }
0x1cb: {  	s20 =	sadd.s32 $0x200, s20;
	s4 =	sshra.s32 s1, $0x2;
	v40 =	vadd.f32 v44, v40;
	v41 =	vadd.f32 v48, v41;
	v44 =	vmul.f32 v54, v54;
	v48 =	vld [tilespmem:s10+$0x50]  }
0x1cc: {  	s21 =	sand.u32 $0x380, s20;
	s1 =	sadd.s32 $0xFFFFFE80, s20;
	s10 =	sadd.s32 $0xC00, s4;
	v43 =	vadd.f32 v51, v43;
	v51 =	vmul.f32 v52, v52;
	v52 =	vsub.f32 $1.500000000e+00, v37  }
0x1cd: {  	s5 =	sadd.s32 $0xFFFFFF00, s20;
	s6 =	sadd.s32 $0x800, s4;
	s24 =	sor.u32 s21, s10;
	v44 =	vadd.f32 v44, v46;
	v46 =	vmul.f32 v49, v49;
	v49 =	vsub.f32 $1.500000000e+00, v50  }
0x1ce: {  	s8 =	sadd.s32 $0xFFFFFF80, s20;
	s22 =	sand.u32 $0x200, s1;
	s25 =	sor.u32 s21, s6;
	v37 =	vld [tilespmem:s24+$0x20];
	v50 =	vmul.f32 v56, v56;
	v41 =	vadd.f32 v43, v41;
	v43 =	vadd.f32 v51, v45  }
0x1cf: {  	s26 =	sand.u32 $0x280, s5;
	s9 =	sand.u32 $0x300, s8;
	s1 =	sor.u32 s22, s6;
	v45 =	vld [tilespmem:s25+$0x70];
	v47 =	vmul.f32 v47, v47;
	v39 =	vadd.f32 v46, v39;
	v46 =	vsub.f32 $1.500000000e+00, v53  }
0x1d0: {  	s12 =	sadd.s32 $0x400, s4;
	s5 =	sor.u32 s26, s6;
	s4 =	sor.u32 s9, s6;
	v36 =	vmul.f32 v52, v36;
	v51 =	vld [tilespmem:s25+$0x40];
	v38 =	vadd.f32 v50, v38;
	v48 =	vmul.f32 v48, v48  }
0x1d1: {  	s6 =	sor.u32 s22, s12;
	s8 =	sor.u32 s26, s12;
	s13 =	sor.u32 s21, s12;
	v35 =	vmul.f32 v49, v35;
	v50 =	vld [tilespmem:s25+$0x10];
	v42 =	vadd.f32 v47, v42;
	v39 =	vadd.f32 v39, v43  }
0x1d2: {  	s21 =	sor.u32 s22, s10;
	s22 =	sor.u32 s26, s10;
	s26 =	sor.u32 s9, s12;
	v34 =	vmul.f32 v46, v34;
	v43 =	vld [tilespmem:s13+$0x60];
	v38 =	vadd.f32 v40, v38;
	v40 =	vadd.f32 v48, v44  }
0x1d3: {  	s10 =	sor.u32 s9, s10;
	v31 =	vmul.f32 v36, v31;
	v32 =	vmul.f32 v35, v32;
	v44 =	vld [tilespmem:s13+$0x0];
	v41 =	vadd.f32 v41, v42  }
0x1d4: {  	v33 =	vmul.f32 v34, v33;
	v42 =	vld [tilespmem:s13+$0x30];
	v46 =	vperm.xlane v38, v3;
	v39 =	vadd.f32 v39, v40  }
0x1d5: {  	v31 =	vmul.f32 v31, v36;
	v40 =	vld [tilespmem:s13+$0x10];
	v47 =	vperm.xlane v41, v3  }
0x1d6: {  	v32 =	vmul.f32 v32, v35;
	v48 =	vld [tilespmem:s13+$0x20];
	v38 =	vadd.f32 v38, v46;
	v46 =	vperm.xlane v39, v3  }
0x1d7: {  	v31 =	vsub.f32 $1.500000000e+00, v31;
	v33 =	vmul.f32 v33, v34;
	v49 =	vld [tilespmem:s13+$0x40];
	v41 =	vadd.f32 v41, v47  }
0x1d8: {  	v32 =	vsub.f32 $1.500000000e+00, v32;
	v47 =	vld [tilespmem:s13+$0x50];
	v52 =	vperm.xlane v38, v4;
	v39 =	vadd.f32 v39, v46  }
0x1d9: {  	v31 =	vmul.f32 v31, v36;
	v33 =	vsub.f32 $1.500000000e+00, v33;
	v46 =	vld [tilespmem:s13+$0x70];
	v53 =	vperm.xlane v41, v4  }
0x1da: {  	v32 =	vmul.f32 v32, v35;
	v36 =	vld [tilespmem:s25+$0x0];
	v38 =	vadd.f32 v38, v52;
	v52 =	vperm.xlane v39, v4  }
0x1db: {  	v35 =	vmul.f32 v44, v44;
	v44 =	vld [tilespmem:s25+$0x20];
	v41 =	vadd.f32 v41, v53;
	[tilespmem:s17+$0xFFFFFF00] =	vst v31;
	v31 =	vmul.f32 v33, v34  }
0x1dc: {  	v33 =	vmul.f32 v40, v40;
	v34 =	vmul.f32 v48, v48;
	v40 =	vld [tilespmem:s25+$0x30];
	v39 =	vadd.f32 v39, v52;
	[tilespmem:s17+$0xFFFFFF80] =	vst v32  }
0x1dd: {  	v32 =	vmul.f32 v49, v49;
	v47 =	vmul.f32 v47, v47;
	v48 =	vld [tilespmem:s25+$0x50];
	[tilespmem:s17+$0x0] =	vst v31;
	s17 =	smov.u32 s7  }
0x1de: {  	v31 =	vmul.f32 v42, v42;
	v42 =	vmul.f32 v46, v46;
	v46 =	vld [tilespmem:s25+$0x60]  }
0x1df: {  	v32 =	vadd.f32 v32, v33;
	v33 =	vadd.f32 v47, v34;
	v34 =	vmul.f32 v36, v36;
	v36 =	vld [tilespmem:s24+$0x0]  }
0x1e0: {  	v31 =	vadd.f32 v31, v35;
	v35 =	vmul.f32 v43, v43;
	v43 =	vmul.f32 v44, v44;
	v44 =	vld [tilespmem:s24+$0x10]  }
0x1e1: {  	v32 =	vadd.f32 v42, v32;
	v33 =	vadd.f32 v34, v33;
	v34 =	vmul.f32 v40, v40;
	v40 =	vld [tilespmem:s24+$0x30]  }
0x1e2: {  	v31 =	vadd.f32 v35, v31;
	v35 =	vmul.f32 v50, v50;
	v42 =	vmul.f32 v48, v48;
	v47 =	vld [tilespmem:s24+$0x40]  }
0x1e3: {  	v32 =	vadd.f32 v43, v32;
	v33 =	vadd.f32 v34, v33;
	v34 =	vmul.f32 v46, v46;
	v43 =	vld [tilespmem:s24+$0x60]  }
0x1e4: {  	v31 =	vadd.f32 v35, v31;
	v35 =	vmul.f32 v51, v51;
	v36 =	vmul.f32 v36, v36;
	v46 =	vld [tilespmem:s24+$0x70]  }
0x1e5: {  	v32 =	vadd.f32 v42, v32;
	v48 =	vld [tilespmem:s6+$0x10];
	v33 =	vadd.f32 v34, v33;
	v34 =	vmul.f32 v44, v44  }
0x1e6: {  	v31 =	vadd.f32 v35, v31;
	v35 =	vmul.f32 v45, v45;
	v40 =	vmul.f32 v40, v40;
	v42 =	vld [tilespmem:s24+$0x50]  }
0x1e7: {  	v32 =	vadd.f32 v36, v32;
	v44 =	vld [tilespmem:s6+$0x20];
	v33 =	vadd.f32 v34, v33;
	v34 =	vmul.f32 v47, v47  }
0x1e8: {  	v31 =	vadd.f32 v35, v31;
	v35 =	vmul.f32 v37, v37;
	v36 =	vld [tilespmem:s6+$0x40];
	v37 =	vmul.f32 v43, v43  }
0x1e9: {  	v32 =	vadd.f32 v40, v32;
	v43 =	vld [tilespmem:s6+$0x50];
	v33 =	vadd.f32 v34, v33;
	v34 =	vmul.f32 v46, v46  }
0x1ea: {  	v31 =	vadd.f32 v35, v31;
	v35 =	vperm.xlane v38, v5;
	v40 =	vmul.f32 v48, v48;
	v45 =	vld [tilespmem:s8+$0x10]  }
0x1eb: {  	v32 =	vadd.f32 v37, v32;
	v46 =	vld [tilespmem:s8+$0x20];
	v42 =	vmul.f32 v42, v42;
	v33 =	vadd.f32 v34, v33  }
0x1ec: {  	v35 =	vadd.f32 v38, v35;
	v38 =	vperm.xlane v41, v5;
	v34 =	vmul.f32 v44, v44;
	v37 =	vld [tilespmem:s8+$0x40]  }
0x1ed: {  	v36 =	vmul.f32 v36, v36;
	v44 =	vld [tilespmem:s8+$0x50];
	v31 =	vadd.f32 v42, v31;
	v32 =	vadd.f32 v33, v32  }
0x1ee: {  	v38 =	vadd.f32 v41, v38;
	v41 =	vperm.xlane v39, v5;
	v33 =	vmul.f32 v43, v43;
	v42 =	vld [tilespmem:s26+$0x10]  }
0x1ef: {  	v36 =	vadd.f32 v36, v40;
	v40 =	vmul.f32 v45, v45;
	v43 =	vld [tilespmem:s26+$0x20];
	v31 =	vadd.f32 v32, v31  }
0x1f0: {  	v39 =	vadd.f32 v39, v41;
	v32 =	vadd.f32 v33, v34;
	v33 =	vmul.f32 v46, v46;
	v34 =	vld [tilespmem:s26+$0x40]  }
0x1f1: {  	v37 =	vmul.f32 v37, v37;
	v41 =	vld [tilespmem:s26+$0x50];
	v45 =	vperm.xlane v31, v3  }
0x1f2: {  	v47 =	vperm.xlane v35, v6;
	v46 =	vld [tilespmem:s6+$0x0];
	v44 =	vmul.f32 v44, v44  }
0x1f3: {  	v48 =	vld [tilespmem:s6+$0x30];
	v37 =	vadd.f32 v37, v40;
	v40 =	vmul.f32 v42, v42;
	v31 =	vadd.f32 v31, v45  }
0x1f4: {  	v42 =	vld [tilespmem:s6+$0x70];
	v33 =	vadd.f32 v44, v33;
	v43 =	vmul.f32 v43, v43;
	v44 =	vperm.xlane v38, v6  }
0x1f5: {  	v35 =	vadd.f32 v35, v47;
	v45 =	vld [tilespmem:s1+$0x0];
	v34 =	vmul.f32 v34, v34;
	v49 =	vperm.xlane v31, v4  }
0x1f6: {  	v47 =	vld [tilespmem:s8+$0x0];
	v41 =	vmul.f32 v41, v41;
	v38 =	vadd.f32 v38, v44;
	v44 =	vperm.xlane v39, v6  }
0x1f7: {  	v46 =	vmul.f32 v46, v46;
	v50 =	vld [tilespmem:s8+$0x30];
	v34 =	vadd.f32 v34, v40;
	v31 =	vadd.f32 v31, v49  }
0x1f8: {  	v40 =	vmul.f32 v48, v48;
	v48 =	vld [tilespmem:s8+$0x70];
	v41 =	vadd.f32 v41, v43;
	v39 =	vadd.f32 v39, v44  }
0x1f9: {  	v42 =	vmul.f32 v42, v42;
	v43 =	vld [tilespmem:s5+$0x0];
	v44 =	vperm.xlane v31, v5  }
0x1fa: {  	v35 =	vmul.f32 $2.604166740e-03, v35;
	v40 =	vadd.f32 v40, v46;
	v45 =	vmul.f32 v45, v45;
	v46 =	vld [tilespmem:s26+$0x0]  }
0x1fb: {  	v36 =	vadd.f32 v42, v36;
	v42 =	vmul.f32 v47, v47;
	v47 =	vld [tilespmem:s26+$0x30];
	v31 =	vadd.f32 v31, v44  }
0x1fc: {  	v38 =	vmul.f32 $2.604166740e-03, v38;
	v32 =	vadd.f32 v45, v32;
	v44 =	vmul.f32 v50, v50;
	v45 =	vld [tilespmem:s26+$0x70]  }
0x1fd: {  	v35 =	vadd.f32 $9.999999970e-07, v35;
	v48 =	vmul.f32 v48, v48;
	v49 =	vld [tilespmem:s4+$0x0];
	v50 =	vperm.xlane v31, v6  }
0x1fe: {  	v39 =	vmul.f32 $2.604166740e-03, v39;
	v51 =	vld [tilespmem:s6+$0x60];
	v42 =	vadd.f32 v44, v42;
	v43 =	vmul.f32 v43, v43  }
0x1ff: {  	v44 =	vld [tilespmem:s1+$0x20];
	v37 =	vadd.f32 v48, v37;
	v46 =	vmul.f32 v46, v46;
	v31 =	vadd.f32 v31, v50  }
0x200: {  	v38 =	vadd.f32 $9.999999970e-07, v38;
	v48 =	vld [tilespmem:s1+$0x30];
	v33 =	vadd.f32 v43, v33;
	v43 =	vmul.f32 v47, v47  }
0x201: {  	v39 =	vadd.f32 $9.999999970e-07, v39;
	v47 =	vld [tilespmem:s8+$0x60];
	v45 =	vmul.f32 v45, v45;
	v31 =	vmul.f32 $2.604166740e-03, v31  }
0x202: {  	v50 =	vld [tilespmem:s5+$0x20];
	v43 =	vadd.f32 v43, v46;
	v46 =	vmul.f32 v49, v49;
	v49 =	vshra.s32 v35, $0x1  }
0x203: {  	v51 =	vmul.f32 v51, v51;
	v52 =	vld [tilespmem:s5+$0x30];
	v34 =	vadd.f32 v45, v34;
	v45 =	vadd.f32 $9.999999970e-07, v31  }
0x204: {  	v31 =	vmul.f32 $5.000000000e-01, v35;
	v44 =	vmul.f32 v44, v44;
	v53 =	vld [tilespmem:s26+$0x60];
	v41 =	vadd.f32 v46, v41  }
0x205: {  	v35 =	vmul.f32 v48, v48;
	v46 =	vld [tilespmem:s4+$0x20];
	v48 =	vshra.s32 v45, $0x1;
	v45 =	vmul.f32 $5.000000000e-01, v45  }
0x206: {  	v36 =	vadd.f32 v44, v36;
	v44 =	vmul.f32 v47, v47;
	v47 =	vld [tilespmem:s4+$0x30];
	v48 =	vsub.s32 $0x5F3759DF, v48  }
0x207: {  	v54 =	vld [tilespmem:s1+$0x10];
	v35 =	vadd.f32 v35, v32;
	v32 =	vmul.f32 v50, v50;
	v50 =	vmul.f32 v48, v45  }
0x208: {  	v40 =	vadd.f32 v51, v40;
	v51 =	vld [tilespmem:s1+$0x50];
	v42 =	vadd.f32 v44, v42;
	v44 =	vmul.f32 v52, v52  }
0x209: {  	v52 =	vld [tilespmem:s1+$0x60];
	v37 =	vadd.f32 v32, v37;
	v32 =	vmul.f32 v53, v53;
	v50 =	vmul.f32 v48, v50  }
0x20a: {  	v53 =	vld [tilespmem:s5+$0x10];
	v44 =	vadd.f32 v44, v33;
	v33 =	vmul.f32 v46, v46;
	v46 =	vshra.s32 v38, $0x1  }
0x20b: {  	v55 =	vld [tilespmem:s5+$0x50];
	v43 =	vadd.f32 v32, v43;
	v47 =	vmul.f32 v47, v47;
	v50 =	vsub.f32 $1.500000000e+00, v50  }
0x20c: {  	v32 =	vmul.f32 $5.000000000e-01, v38;
	v54 =	vmul.f32 v54, v54;
	v56 =	vld [tilespmem:s5+$0x60];
	v34 =	vadd.f32 v33, v34  }
0x20d: {  	v33 =	vmul.f32 v51, v51;
	v38 =	vld [tilespmem:s4+$0x10];
	v41 =	vadd.f32 v47, v41;
	v47 =	vmul.f32 v48, v50  }
0x20e: {  	v51 =	vshra.s32 v39, $0x1;
	v40 =	vadd.f32 v54, v40;
	v48 =	vmul.f32 v52, v52;
	v50 =	vld [tilespmem:s4+$0x50]  }
0x20f: {  	v36 =	vadd.f32 v33, v36;
	v52 =	vmul.f32 v53, v53;
	v53 =	vld [tilespmem:s4+$0x60];
	v54 =	vmul.f32 v47, v45  }
0x210: {  	v33 =	vmul.f32 $5.000000000e-01, v39;
	v57 =	vld [tilespmem:s1+$0x40];
	v35 =	vadd.f32 v48, v35;
	v48 =	vmul.f32 v55, v55  }
0x211: {  	v39 =	vld [tilespmem:s21+$0x0];
	v42 =	vadd.f32 v52, v42;
	v52 =	vmul.f32 v56, v56;
	v54 =	vmul.f32 v54, v47  }
0x212: {  	v55 =	vld [tilespmem:s21+$0x10];
	v37 =	vadd.f32 v48, v37;
	v38 =	vmul.f32 v38, v38;
	v48 =	vsub.s32 $0x5F3759DF, v49  }
0x213: {  	v49 =	vld [tilespmem:s5+$0x40];
	v44 =	vadd.f32 v52, v44;
	v50 =	vmul.f32 v50, v50;
	v52 =	vsub.f32 $1.500000000e+00, v54  }
0x214: {  	v46 =	vsub.s32 $0x5F3759DF, v46;
	v54 =	vld [tilespmem:s22+$0x0];
	v38 =	vadd.f32 v38, v43;
	v43 =	vmul.f32 v53, v53  }
0x215: {  	v53 =	vmul.f32 v57, v57;
	v56 =	vld [tilespmem:s22+$0x10];
	v34 =	vadd.f32 v50, v34;
	v47 =	vmul.f32 v52, v47  }
0x216: {  	v51 =	vsub.s32 $0x5F3759DF, v51;
	v39 =	vmul.f32 v39, v39;
	v50 =	vld [tilespmem:s4+$0x40];
	v41 =	vadd.f32 v43, v41  }
0x217: {  	v40 =	vadd.f32 v53, v40;
	v43 =	vmul.f32 v55, v55;
	v52 =	vld [tilespmem:s10+$0x0];
	v45 =	vmul.f32 v47, v45  }
0x218: {  	v53 =	vmul.f32 v48, v31;
	v36 =	vadd.f32 v39, v36;
	v39 =	vmul.f32 v49, v49;
	v49 =	vld [tilespmem:s10+$0x10]  }
0x219: {  	v55 =	vld [tilespmem:s1+$0x70];
	v35 =	vadd.f32 v43, v35;
	v43 =	vmul.f32 v54, v54;
	v45 =	vmul.f32 v45, v47  }
0x21a: {  	v54 =	vld [tilespmem:s21+$0x30];
	v42 =	vadd.f32 v39, v42;
	v39 =	vmul.f32 v56, v56;
	v56 =	vmul.f32 v46, v32  }
0x21b: {  	v57 =	vld [tilespmem:s21+$0x40];
	v37 =	vadd.f32 v43, v37;
	v43 =	vmul.f32 v50, v50;
	v45 =	vsub.f32 $1.500000000e+00, v45  }
0x21c: {  	v50 =	vld [tilespmem:s5+$0x70];
	v58 =	vadd.f32 v39, v44;
	v39 =	vmul.f32 v52, v52;
	v44 =	vmul.f32 v51, v33  }
0x21d: {  	v52 =	vld [tilespmem:s22+$0x30];
	v59 =	vadd.f32 v43, v38;
	v38 =	vmul.f32 v49, v49;
	v43 =	vmul.f32 v45, v47  }
0x21e: {  	s7 =	sadd.s32 $0x200, s7;
	v45 =	vmul.f32 v55, v55;
	v47 =	vld [tilespmem:s22+$0x40];
	v55 =	vadd.f32 v39, v34;
	v34 =	vmul.f32 v48, v53  }
0x21f: {  	v49 =	vmul.f32 v54, v54;
	v53 =	vld [tilespmem:s4+$0x70];
	v39 =	vadd.f32 v38, v41;
	[tilespmem:s7+$0x80] =	vst v43;
	v41 =	vmul.f32 v46, v56  }
0x220: {  	v54 =	vmul.f32 v51, v44;
	v38 =	vadd.f32 v45, v40;
	v43 =	vmul.f32 v57, v57;
	v45 =	vld [tilespmem:s10+$0x30]  }
0x221: {  	v34 =	vsub.f32 $1.500000000e+00, v34;
	v40 =	vadd.f32 v49, v36;
	v36 =	vmul.f32 v50, v50;
	v56 =	vld [tilespmem:s10+$0x40]  }
0x222: {  	v57 =	vld [tilespmem:s21+$0x20];
	v44 =	vadd.f32 v43, v35;
	v35 =	vmul.f32 v52, v52;
	v52 =	vsub.f32 $1.500000000e+00, v41  }
.Ltmp1:
0x223: {  	v54 =	vsub.f32 $1.500000000e+00, v54;
	v49 =	vld [tilespmem:s21+$0x60];
	v42 =	vadd.f32 v36, v42;
	v43 =	vmul.f32 v47, v47;
	(pc) =	sbr.rel @p0 .LBB2_5-.Ltmp1, $4  }
0x224: {  	v36 =	vmul.f32 v48, v34;
	v50 =	vld [tilespmem:s21+$0x70];
	v41 =	vadd.f32 v35, v37;
	v37 =	vmul.f32 v53, v53  }
0x225: {  	v35 =	vmul.f32 v46, v52;
	v47 =	vld [tilespmem:s22+$0x20];
	v43 =	vadd.f32 v43, v58;
	v45 =	vmul.f32 v45, v45  }
0x226: {  	v34 =	vmul.f32 v51, v54;
	v48 =	vld [tilespmem:s22+$0x60];
	v46 =	vadd.f32 v37, v59;
	v53 =	vmul.f32 v56, v56  }
0x227: {  	v37 =	vmul.f32 v36, v31;
	v52 =	vmul.f32 v57, v57;
	v51 =	vld [tilespmem:s22+$0x70];
	v45 =	vadd.f32 v45, v55  }
0x228: {  	v54 =	vld [tilespmem:s10+$0x20]  }
0x229: {  	v55 =	vld [tilespmem:s10+$0x60]  }
0x22a: {  	v49 =	vmul.f32 v49, v49;
	v56 =	vld [tilespmem:s10+$0x70];
	v50 =	vmul.f32 v50, v50  }
0x22b: {  	v57 =	vld [tilespmem:s21+$0x50]  }
0x22c: {  	v58 =	vld [tilespmem:s22+$0x50];
	v40 =	vadd.f32 v49, v40;
	v47 =	vmul.f32 v47, v47;
	v44 =	vadd.f32 v50, v44  }
0x22d: {  	v39 =	vadd.f32 v53, v39;
	v60 =	vld [tilespmem:s10+$0x50];
	v38 =	vadd.f32 v52, v38;
	v48 =	vmul.f32 v48, v48  }
0x22e: {  	v59 =	vmul.f32 v51, v51;
	v42 =	vadd.f32 v47, v42;
	v40 =	vadd.f32 v44, v40  }
0x22f: {  	v61 =	vmul.f32 v54, v54;
	v41 =	vadd.f32 v48, v41;
	v62 =	vmul.f32 v55, v55  }
0x230: {  	v63 =	vmul.f32 v56, v56;
	v0 =	vmul.f32 v57, v57;
	v43 =	vadd.f32 v59, v43  }
0x231: {  	v1 =	vmul.f32 v58, v58;
	v44 =	vadd.f32 v61, v46;
	v45 =	vadd.f32 v62, v45  }
0x232: {  	v2 =	vmul.f32 v60, v60;
	v39 =	vadd.f32 v63, v39;
	v38 =	vadd.f32 v0, v38  }
0x233: {  	v42 =	vadd.f32 v1, v42;
	v41 =	vadd.f32 v43, v41  }
0x234: {  	v39 =	vadd.f32 v39, v45;
	v46 =	vadd.f32 v2, v44  }
0x235: {  	v38 =	vadd.f32 v40, v38;
	v47 =	vadd.f32 v41, v42  }
0x236: {  	v39 =	vadd.f32 v39, v46  }
0x237: {  	v48 =	vperm.xlane v38, v3;
	v42 =	vperm.xlane v47, v3  }
0x238: {  	v43 =	vperm.xlane v39, v3  }
0x239: {  	v38 =	vadd.f32 v38, v48;
	v40 =	vadd.f32 v47, v42  }
0x23a: {  	v39 =	vadd.f32 v39, v43  }
0x23b: {  	v41 =	vperm.xlane v38, v4;
	v42 =	vperm.xlane v40, v4  }
0x23c: {  	v43 =	vperm.xlane v39, v4  }
0x23d: {  	v38 =	vadd.f32 v38, v41;
	v40 =	vadd.f32 v40, v42  }
0x23e: {  	v39 =	vadd.f32 v39, v43  }
0x23f: {  	v41 =	vperm.xlane v38, v5;
	v42 =	vperm.xlane v40, v5  }
0x240: {  	v43 =	vperm.xlane v39, v5  }
0x241: {  	v38 =	vadd.f32 v38, v41;
	v40 =	vadd.f32 v40, v42  }
0x242: {  	v39 =	vadd.f32 v39, v43  }
0x243: {  	v41 =	vperm.xlane v38, v6;
	v42 =	vperm.xlane v40, v6  }
0x244: {  	v43 =	vperm.xlane v39, v6  }
0x245: {  	v38 =	vadd.f32 v38, v41;
	v40 =	vadd.f32 v40, v42  }
0x246: {  	v39 =	vadd.f32 v39, v43  }
0x247: {  	v38 =	vmul.f32 $2.604166740e-03, v38;
	v40 =	vmul.f32 $2.604166740e-03, v40  }
0x248: {  	v39 =	vmul.f32 $2.604166740e-03, v39  }
0x249: {  	v38 =	vadd.f32 $9.999999970e-07, v38;
	v40 =	vadd.f32 $9.999999970e-07, v40  }
0x24a: {  	v39 =	vadd.f32 $9.999999970e-07, v39  }
0x24b: {  	v49 =	vshra.s32 v38, $0x1;
	v38 =	vmul.f32 $5.000000000e-01, v38;
	v50 =	vshra.s32 v40, $0x1  }
0x24c: {  	v40 =	vmul.f32 $5.000000000e-01, v40;
	v41 =	vsub.s32 $0x5F3759DF, v49;
	v51 =	vshra.s32 v39, $0x1  }
0x24d: {  	v39 =	vmul.f32 $5.000000000e-01, v39;
	v42 =	vsub.s32 $0x5F3759DF, v50;
	v52 =	vmul.f32 v41, v38  }
0x24e: {  	v37 =	vmul.f32 v37, v36;
	v43 =	vsub.s32 $0x5F3759DF, v51;
	v54 =	vmul.f32 v42, v40  }
0x24f: {  	v55 =	vmul.f32 v43, v39;
	v44 =	vmul.f32 v41, v52  }
0x250: {  	v53 =	vmul.f32 v35, v32;
	v46 =	vmul.f32 v42, v54  }
0x251: {  	v37 =	vsub.f32 $1.500000000e+00, v37;
	v47 =	vmul.f32 v43, v55;
	v44 =	vsub.f32 $1.500000000e+00, v44  }
0x252: {  	v56 =	vmul.f32 v34, v33;
	v45 =	vmul.f32 v53, v35;
	v46 =	vsub.f32 $1.500000000e+00, v46  }
0x253: {  	v58 =	vmul.f32 v37, v36;
	v47 =	vsub.f32 $1.500000000e+00, v47;
	v41 =	vmul.f32 v41, v44  }
0x254: {  	v57 =	vsub.f32 $1.500000000e+00, v45;
	v48 =	vmul.f32 v56, v34;
	v59 =	vmul.f32 v42, v46  }
0x255: {  	v60 =	vmul.f32 v43, v47;
	v61 =	vmul.f32 v41, v38  }
0x256: {  	v63 =	vmul.f32 v57, v35;
	v0 =	vmul.f32 v59, v40  }
0x257: {  	v1 =	vmul.f32 v60, v39;
	v43 =	vmul.f32 v61, v41  }
0x258: {  	v31 =	vmul.f32 v58, v31;
	v62 =	vsub.f32 $1.500000000e+00, v48;
	v44 =	vmul.f32 v0, v59  }
0x259: {  	v4 =	vmul.f32 v63, v32;
	v3 =	vmul.f32 v1, v60;
	v43 =	vsub.f32 $1.500000000e+00, v43  }
0x25a: {  	v31 =	vmul.f32 v31, v58;
	v2 =	vmul.f32 v62, v34;
	v44 =	vsub.f32 $1.500000000e+00, v44  }
0x25b: {  	v32 =	vmul.f32 v4, v63;
	v45 =	vsub.f32 $1.500000000e+00, v3;
	v41 =	vmul.f32 v43, v41  }
0x25c: {  	v5 =	vmul.f32 v2, v33;
	v37 =	vmul.f32 v44, v59  }
0x25d: {  	v42 =	vmul.f32 v45, v60;
	v38 =	vmul.f32 v41, v38  }
0x25e: {  	v31 =	vsub.f32 $1.500000000e+00, v31;
	v33 =	vmul.f32 v5, v2;
	v40 =	vmul.f32 v37, v40  }
0x25f: {  	v32 =	vsub.f32 $1.500000000e+00, v32;
	v39 =	vmul.f32 v42, v39;
	v38 =	vmul.f32 v38, v41  }
0x260: {  	v31 =	vmul.f32 v31, v58;
	v33 =	vsub.f32 $1.500000000e+00, v33;
	v43 =	vmul.f32 v40, v37  }
0x261: {  	v32 =	vmul.f32 v32, v63;
	v44 =	vsub.f32 $1.500000000e+00, v38;
	v45 =	vmul.f32 v39, v42  }
0x262: {  	[tilespmem:s17+$0xFFFFFF00] =	vst v31;
	v31 =	vmul.f32 v33, v2;
	v46 =	vsub.f32 $1.500000000e+00, v43  }
0x263: {  	[tilespmem:s17+$0xFFFFFF80] =	vst v32;
	v47 =	vmul.f32 v44, v41;
	v48 =	vsub.f32 $1.500000000e+00, v45  }
0x264: {  	[tilespmem:s17+$0x0] =	vst v31;
	v31 =	vmul.f32 v46, v37  }
0x265: {  	[tilespmem:s7+$0xFFFFFF00] =	vst v47;
	v49 =	vmul.f32 v48, v42  }
0x266: {  	[tilespmem:s7+$0xFFFFFF80] =	vst v31  }
0x267: {  	[tilespmem:s7+$0x0] =	vst v49  }
0x268: {  	v32 =	vld [tilespmem:s3+$0x80];
	_ =	sdelay $0x1  }
0x269: {  	v31 =	vld [tilespmem:s19+$0x0]  }
0x26a: {  	v50 =	vld [tilespmem:s19+$0x10]  }
0x26b: {  	v53 =	vld [tilespmem:s19+$0x30]  }
0x26c: {  	v55 =	vld [tilespmem:s19+$0x40];
	v52 =	vmul.f32 v32, v8  }
0x26d: {  	v57 =	vld [tilespmem:s19+$0x50];
	v54 =	vmul.f32 v32, v9  }
0x26e: {  	v59 =	vld [tilespmem:s19+$0x60];
	v58 =	vmul.f32 v32, v11;
	v31 =	vmul.f32 v52, v31  }
0x26f: {  	v61 =	vld [tilespmem:s19+$0x70];
	v60 =	vmul.f32 v32, v12;
	v33 =	vmul.f32 v50, v54  }
0x270: {  	v51 =	vld [tilespmem:s19+$0x20];
	v62 =	vmul.f32 v32, v13;
	v37 =	vmul.f32 v53, v58;
	[tilespmem:s19+$0x0] =	vst v31  }
0x271: {  	v63 =	vmul.f32 v32, v14;
	v39 =	vmul.f32 v55, v60;
	[tilespmem:s19+$0x10] =	vst v33  }
0x272: {  	v1 =	vmul.f32 v32, v15;
	v0 =	vmul.f32 v57, v62;
	[tilespmem:s19+$0x30] =	vst v37  }
0x273: {  	v56 =	vmul.f32 v32, v10;
	v2 =	vmul.f32 v59, v63;
	[tilespmem:s19+$0x40] =	vst v39  }
0x274: {  	v34 =	vld [tilespmem:s3+$0xFFFFFF80];
	v36 =	vmul.f32 v61, v1;
	[tilespmem:s19+$0x50] =	vst v0  }
0x275: {  	v35 =	vld [tilespmem:s3+$0xFFFFFF00];
	v31 =	vmul.f32 v51, v56;
	[tilespmem:s19+$0x60] =	vst v2  }
0x276: {  	v40 =	vld [tilespmem:s16+$0x0];
	[tilespmem:s19+$0x70] =	vst v36  }
0x277: {  	v38 =	vld [tilespmem:s16+$0x20];
	[tilespmem:s19+$0x20] =	vst v31  }
0x278: {  	v3 =	vld [tilespmem:s18+$0x0]  }
0x279: {  	v4 =	vld [tilespmem:s18+$0x10]  }
0x27a: {  	v48 =	vmul.f32 v35, v10;
	v36 =	vld [tilespmem:s18+$0x20]  }
0x27b: {  	v0 =	vmul.f32 v32, v24;
	v1 =	vld [tilespmem:s18+$0x30]  }
0x27c: {  	v58 =	vmul.f32 v32, v19;
	v38 =	vmul.f32 v38, v48;
	v59 =	vld [tilespmem:s18+$0x40]  }
0x27d: {  	v2 =	vmul.f32 v32, v20;
	v60 =	vld [tilespmem:s18+$0x50];
	v47 =	vmul.f32 v3, v0  }
0x27e: {  	v61 =	vld [tilespmem:s18+$0x60];
	v50 =	vmul.f32 v4, v58;
	v3 =	vmul.f32 v32, v21  }
0x27f: {  	v55 =	vld [tilespmem:s18+$0x70];
	v4 =	vmul.f32 v36, v2;
	v36 =	vmul.f32 v32, v26;
	[tilespmem:s18+$0x0] =	vst v47  }
0x280: {  	v42 =	vld [tilespmem:s16+$0x10];
	v0 =	vmul.f32 v32, v29;
	[tilespmem:s18+$0x10] =	vst v50;
	v63 =	vmul.f32 v1, v3  }
0x281: {  	v62 =	vld [tilespmem:s16+$0x40];
	v2 =	vmul.f32 v32, v7;
	[tilespmem:s18+$0x20] =	vst v4;
	v1 =	vmul.f32 v59, v36  }
0x282: {  	v48 =	vld [tilespmem:s15+$0x40];
	v3 =	vmul.f32 v60, v0;
	v4 =	vmul.f32 v32, v22;
	[tilespmem:s18+$0x30] =	vst v63  }
0x283: {  	v39 =	vld [tilespmem:s16+$0x30];
	v36 =	vmul.f32 v61, v2;
	[tilespmem:s18+$0x40] =	vst v1  }
0x284: {  	v33 =	vld [tilespmem:s3+$0x0];
	v37 =	vmul.f32 v35, v8;
	[tilespmem:s18+$0x50] =	vst v3;
	v4 =	vmul.f32 v55, v4  }
0x285: {  	v56 =	vld [tilespmem:s15+$0x10];
	[tilespmem:s18+$0x60] =	vst v36  }
0x286: {  	v49 =	vmul.f32 v35, v11;
	v37 =	vmul.f32 v37, v40;
	v40 =	vld [tilespmem:s15+$0x30];
	[tilespmem:s18+$0x70] =	vst v4  }
0x287: {  	v0 =	vld [tilespmem:s28+$0x70]  }
0x288: {  	v39 =	vmul.f32 v39, v49;
	v49 =	vld [tilespmem:s15+$0x50]  }
0x289: {  	v58 =	vld [tilespmem:s16+$0x50]  }
0x28a: {  	v59 =	vld [tilespmem:s16+$0x60];
	v4 =	vmul.f32 v32, v28  }
0x28b: {  	v46 =	vmul.f32 v35, v9;
	v61 =	vld [tilespmem:s15+$0x0]  }
0x28c: {  	v52 =	vmul.f32 v35, v13;
	v47 =	vld [tilespmem:s15+$0x20];
	v0 =	vmul.f32 v0, v4  }
0x28d: {  	v63 =	vld [tilespmem:s16+$0x70]  }
0x28e: {  	v42 =	vmul.f32 v42, v46;
	v52 =	vmul.f32 v58, v52;
	v58 =	vld [tilespmem:s15+$0x60];
	[tilespmem:$0x1FE70] =	vst v0  }
0x28f: {  	v5 =	vmul.f32 v34, v8;
	v51 =	vmul.f32 v35, v12;
	[tilespmem:s16+$0x0] =	vst v37  }
0x290: {  	v41 =	vmul.f32 v34, v9;
	v54 =	vmul.f32 v35, v14;
	[tilespmem:s16+$0x10] =	vst v42  }
0x291: {  	v57 =	vmul.f32 v35, v15;
	v51 =	vmul.f32 v62, v51;
	[tilespmem:s16+$0x20] =	vst v38  }
0x292: {  	v43 =	vmul.f32 v34, v10;
	v44 =	vmul.f32 v34, v11;
	v62 =	vld [tilespmem:s15+$0x70];
	[tilespmem:s16+$0x30] =	vst v39  }
0x293: {  	v54 =	vmul.f32 v59, v54;
	v57 =	vmul.f32 v63, v57;
	v63 =	vld [tilespmem:s14+$0x0];
	[tilespmem:s16+$0x40] =	vst v51  }
0x294: {  	v53 =	vmul.f32 v34, v14;
	v60 =	vmul.f32 v34, v13;
	v0 =	vld [tilespmem:s14+$0x10];
	[tilespmem:s16+$0x50] =	vst v52  }
0x295: {  	v61 =	vmul.f32 v5, v61;
	v38 =	vmul.f32 v56, v41;
	v56 =	vld [tilespmem:s14+$0x20];
	[tilespmem:s16+$0x60] =	vst v54  }
0x296: {  	v45 =	vmul.f32 v34, v12;
	v39 =	vmul.f32 v40, v44;
	v44 =	vld [tilespmem:s14+$0x30];
	[tilespmem:s16+$0x70] =	vst v57  }
0x297: {  	v5 =	vmul.f32 v58, v53;
	v4 =	vmul.f32 v49, v60;
	v58 =	vld [tilespmem:s14+$0x40];
	[tilespmem:s15+$0x0] =	vst v61  }
0x298: {  	v46 =	vmul.f32 v33, v12;
	v2 =	vmul.f32 v33, v9;
	v60 =	vld [tilespmem:s14+$0x50];
	s5 =	rddreg [dreg:$0xf]  }
0x299: {  	v50 =	vmul.f32 v33, v11;
	v41 =	vmul.f32 v47, v43;
	[tilespmem:s15+$0x50] =	vst v4;
	v54 =	vld [tilespmem:s5+$0x0]  }
0x29a: {  	v55 =	vmul.f32 v34, v15;
	v1 =	vmul.f32 v33, v8;
	[tilespmem:s15+$0x10] =	vst v38;
	v38 =	vld [tilespmem:s5+$0x10]  }
0x29b: {  	v36 =	vmul.f32 v33, v10;
	v59 =	vmul.f32 v33, v13;
	[tilespmem:s15+$0x20] =	vst v41;
	v41 =	vld [tilespmem:s5+$0x20]  }
0x29c: {  	v53 =	vmul.f32 v35, v19;
	v40 =	vmul.f32 v48, v45;
	[tilespmem:s15+$0x30] =	vst v39;
	v39 =	vld [tilespmem:s5+$0x30]  }
0x29d: {  	v37 =	vmul.f32 v33, v14;
	[tilespmem:s15+$0x60] =	vst v5;
	v43 =	vld [tilespmem:s5+$0x50];
	v49 =	vmul.f32 v62, v55  }
0x29e: {  	v42 =	vmul.f32 v33, v15;
	[tilespmem:s15+$0x40] =	vst v40;
	v47 =	vld [tilespmem:s5+$0x60];
	v1 =	vmul.f32 v1, v63  }
0x29f: {  	v52 =	vmul.f32 v35, v24;
	v0 =	vmul.f32 v0, v2;
	v62 =	vld [tilespmem:s14+$0x60];
	[tilespmem:s15+$0x70] =	vst v49  }
0x2a0: {  	v40 =	vmul.f32 v35, v7;
	v36 =	vmul.f32 v56, v36;
	v63 =	vld [tilespmem:s14+$0x70];
	[tilespmem:s14+$0x0] =	vst v1  }
0x2a1: {  	v55 =	vmul.f32 v35, v20;
	v44 =	vmul.f32 v44, v50;
	v49 =	vld [tilespmem:s5+$0x70];
	s4 =	rddreg [dreg:$0xe];
	[tilespmem:s14+$0x10] =	vst v0  }
0x2a2: {  	v50 =	vmul.f32 v35, v21;
	v46 =	vmul.f32 v58, v46;
	[tilespmem:s14+$0x20] =	vst v36;
	v1 =	vld [tilespmem:s4+$0x0]  }
0x2a3: {  	v51 =	vmul.f32 v60, v59;
	v56 =	vmul.f32 v35, v29;
	[tilespmem:s14+$0x30] =	vst v44;
	v0 =	vld [tilespmem:s4+$0x10]  }
0x2a4: {  	v52 =	vmul.f32 v54, v52;
	v38 =	vmul.f32 v38, v53;
	[tilespmem:s14+$0x40] =	vst v46;
	v53 =	vld [tilespmem:s4+$0x20]  }
0x2a5: {  	v41 =	vmul.f32 v41, v55;
	[tilespmem:s14+$0x50] =	vst v51;
	v55 =	vld [tilespmem:s4+$0x30];
	v2 =	vmul.f32 v62, v37  }
0x2a6: {  	v39 =	vmul.f32 v39, v50;
	v50 =	vld [tilespmem:s4+$0x40];
	[tilespmem:s5+$0x0] =	vst v52;
	v42 =	vmul.f32 v63, v42  }
0x2a7: {  	v43 =	vmul.f32 v43, v56;
	v56 =	vld [tilespmem:s4+$0x60];
	[tilespmem:s14+$0x60] =	vst v2  }
0x2a8: {  	v45 =	vmul.f32 v35, v22;
	v40 =	vmul.f32 v47, v40;
	v47 =	vld [tilespmem:s4+$0x70];
	[tilespmem:s14+$0x70] =	vst v42  }
0x2a9: {  	v48 =	vmul.f32 v35, v26;
	v57 =	vmul.f32 v34, v24;
	v37 =	vld [tilespmem:s5+$0x40];
	s1 =	rddreg [dreg:$0xd]  }
0x2aa: {  	v59 =	vmul.f32 v34, v20;
	v45 =	vmul.f32 v49, v45;
	v49 =	vld [tilespmem:s1+$0x0]  }
0x2ab: {  	v60 =	vmul.f32 v34, v21;
	[tilespmem:s5+$0x10] =	vst v38;
	v1 =	vmul.f32 v1, v57;
	v57 =	vld [tilespmem:s1+$0x10]  }
0x2ac: {  	v54 =	vmul.f32 v34, v22;
	[tilespmem:s5+$0x20] =	vst v41;
	v41 =	vmul.f32 v53, v59;
	v53 =	vld [tilespmem:s1+$0x20]  }
0x2ad: {  	v4 =	vmul.f32 v34, v19;
	[tilespmem:s5+$0x30] =	vst v39;
	v39 =	vmul.f32 v55, v60;
	v55 =	vld [tilespmem:s1+$0x30]  }
0x2ae: {  	v5 =	vmul.f32 v34, v26;
	[tilespmem:s5+$0x50] =	vst v43;
	v43 =	vmul.f32 v47, v54;
	v47 =	vld [tilespmem:s1+$0x50]  }
0x2af: {  	[tilespmem:s5+$0x60] =	vst v40;
	v0 =	vmul.f32 v0, v4;
	v4 =	vld [tilespmem:s1+$0x60];
	v37 =	vmul.f32 v37, v48  }
0x2b0: {  	v50 =	vmul.f32 v50, v5;
	[tilespmem:s5+$0x70] =	vst v45;
	v5 =	vld [tilespmem:s1+$0x70]  }
0x2b1: {  	v48 =	vld [tilespmem:s4+$0x50];
	[tilespmem:s5+$0x40] =	vst v37  }
0x2b2: {  	[tilespmem:s4+$0x0] =	vst v1;
	v1 =	vld [tilespmem:s0+$0x0]  }
0x2b3: {  	v36 =	vmul.f32 v33, v24;
	v46 =	vmul.f32 v33, v20;
	[tilespmem:s4+$0x10] =	vst v0;
	v0 =	vld [tilespmem:s0+$0x10]  }
0x2b4: {  	v62 =	vmul.f32 v34, v29;
	v63 =	vmul.f32 v34, v7;
	[tilespmem:s4+$0x20] =	vst v41;
	v41 =	vld [tilespmem:s0+$0x20]  }
0x2b5: {  	v42 =	vmul.f32 v33, v29;
	v38 =	vmul.f32 v33, v22;
	[tilespmem:s4+$0x40] =	vst v50;
	v50 =	vld [tilespmem:s0+$0x40]  }
0x2b6: {  	[tilespmem:s4+$0x70] =	vst v43;
	v43 =	vld [tilespmem:s0+$0x70];
	v52 =	vmul.f32 v53, v46;
	v37 =	vmul.f32 v48, v62  }
0x2b7: {  	[tilespmem:s4+$0x30] =	vst v39;
	v42 =	vmul.f32 v47, v42;
	v47 =	vld [tilespmem:s0+$0x30];
	v48 =	vmul.f32 v56, v63  }
0x2b8: {  	v46 =	vmul.f32 v5, v38;
	v38 =	vld [tilespmem:s0+$0x50];
	v63 =	vmul.f32 v34, v27;
	[tilespmem:s4+$0x50] =	vst v37  }
0x2b9: {  	v3 =	vmul.f32 v34, v17;
	v56 =	vld [tilespmem:s1+$0x40];
	[tilespmem:s4+$0x60] =	vst v48  }
0x2ba: {  	v61 =	vmul.f32 v33, v7;
	v36 =	vmul.f32 v49, v36;
	v48 =	vld [tilespmem:s0+$0x60];
	[tilespmem:$0x1FE80] =	vst v63  }
0x2bb: {  	v44 =	vmul.f32 v33, v19;
	v5 =	vmul.f32 v34, v30;
	[tilespmem:$0x1FE90] =	vst v3  }
0x2bc: {  	v37 =	vmul.f32 v34, v25;
	[tilespmem:s1+$0x0] =	vst v36  }
0x2bd: {  	v2 =	vmul.f32 v57, v44;
	v49 =	vmul.f32 v4, v61;
	v4 =	vld [tilespmem:s2+$0x0];
	[tilespmem:$0x1FEA0] =	vst v5  }
0x2be: {  	v39 =	vmul.f32 v34, v28;
	[tilespmem:$0x1FEB0] =	vst v37  }
0x2bf: {  	v31 =	vmul.f32 v32, v23;
	[tilespmem:s1+$0x10] =	vst v2  }
0x2c0: {  	v58 =	vmul.f32 v33, v26;
	v51 =	vmul.f32 v33, v21;
	v45 =	vld [tilespmem:s2+$0x10];
	[tilespmem:$0x1FEC0] =	vst v39  }
0x2c1: {  	v59 =	vmul.f32 v35, v23;
	[tilespmem:s1+$0x20] =	vst v52;
	v52 =	vmul.f32 v33, v23  }
0x2c2: {  	v60 =	vmul.f32 v35, v18;
	v51 =	vmul.f32 v55, v51  }
0x2c3: {  	v54 =	vmul.f32 v35, v25;
	v40 =	vmul.f32 v56, v58;
	[tilespmem:$0x1FED0] =	vst v52  }
0x2c4: {  	v53 =	vmul.f32 v34, v23;
	v61 =	vmul.f32 v34, v18;
	[tilespmem:s1+$0x30] =	vst v51  }
0x2c5: {  	v62 =	vmul.f32 v35, v16;
	v58 =	vmul.f32 v34, v16;
	v34 =	vld [tilespmem:s2+$0x20];
	[tilespmem:s1+$0x40] =	vst v40  }
0x2c6: {  	v55 =	vmul.f32 v35, v27;
	v57 =	vmul.f32 v35, v30;
	v51 =	vld [tilespmem:s2+$0x30];
	[tilespmem:s1+$0x50] =	vst v42  }
0x2c7: {  	v44 =	vmul.f32 v35, v28;
	v52 =	vmul.f32 v0, v62;
	v0 =	vld [tilespmem:s2+$0x40];
	[tilespmem:s1+$0x60] =	vst v49  }
0x2c8: {  	v59 =	vmul.f32 v1, v59;
	v47 =	vmul.f32 v47, v55;
	v1 =	vld [tilespmem:s2+$0x50];
	[tilespmem:s1+$0x70] =	vst v46  }
0x2c9: {  	v36 =	vmul.f32 v32, v17;
	v56 =	vmul.f32 v35, v17;
	v55 =	vld [tilespmem:$0x1FE70]  }
0x2ca: {  	v37 =	vmul.f32 v41, v60;
	v41 =	vmul.f32 v33, v27;
	v49 =	vld [tilespmem:s2+$0x60]  }
0x2cb: {  	v60 =	vmul.f32 v43, v44;
	v63 =	vmul.f32 v48, v54;
	v48 =	vld [tilespmem:s2+$0x70]  }
0x2cc: {  	v43 =	vmul.f32 v33, v30;
	v44 =	vmul.f32 v33, v25;
	v2 =	vld [tilespmem:s31+$0x0];
	[tilespmem:s0+$0x0] =	vst v59  }
0x2cd: {  	v3 =	vmov v25;
	v25 =	vmul.f32 v32, v16;
	v39 =	vmul.f32 v33, v16;
	v46 =	vld [tilespmem:s31+$0x10];
	[tilespmem:s0+$0x10] =	vst v52  }
0x2ce: {  	v35 =	vmul.f32 v50, v56;
	v62 =	vmul.f32 v38, v57;
	v50 =	vld [tilespmem:s31+$0x20];
	[tilespmem:s28+$0x70] =	vst v55  }
0x2cf: {  	v40 =	vmul.f32 v33, v18;
	v42 =	vmul.f32 v33, v17;
	v56 =	vld [tilespmem:$0x1FE80];
	[tilespmem:s0+$0x20] =	vst v37  }
0x2d0: {  	v55 =	vmul.f32 v45, v58;
	v45 =	vmul.f32 v33, v28;
	v57 =	vld [tilespmem:$0x1FE90];
	[tilespmem:s0+$0x30] =	vst v47  }
0x2d1: {  	v33 =	vmul.f32 v32, v18;
	v28 =	vmul.f32 v32, v30;
	v59 =	vld [tilespmem:$0x1FEA0]  }
0x2d2: {  	v37 =	vmul.f32 v32, v27;
	[tilespmem:s0+$0x40] =	vst v35;
	v35 =	vmul.f32 v32, v3;
	v32 =	vld [tilespmem:s28+$0x0]  }
0x2d3: {  	v54 =	vmul.f32 v4, v53;
	v53 =	vmul.f32 v34, v61;
	v61 =	vld [tilespmem:$0x1FEB0];
	[tilespmem:s0+$0x50] =	vst v62  }
0x2d4: {  	v62 =	vld [tilespmem:$0x1FEC0];
	[tilespmem:s0+$0x60] =	vst v63  }
0x2d5: {  	v63 =	vld [tilespmem:$0x1FED0]  }
0x2d6: {  	v58 =	vmul.f32 v51, v56;
	v51 =	vld [tilespmem:s31+$0x30]  }
0x2d7: {  	v56 =	vmul.f32 v0, v57;
	v57 =	vld [tilespmem:s31+$0x40]  }
0x2d8: {  	v52 =	vmul.f32 v1, v59;
	v59 =	vld [tilespmem:s31+$0x50]  }
0x2d9: {  	v49 =	vmul.f32 v49, v61;
	v61 =	vld [tilespmem:s31+$0x60]  }
0x2da: {  	v48 =	vmul.f32 v48, v62;
	v62 =	vld [tilespmem:s31+$0x70];
	v47 =	vmul.f32 v2, v63  }
.LBB2_7:
0x2db: {  	v2 =	vld [tilespmem:s28+$0x10]  }
0x2dc: {  	s11 =	sadd.s32 $0x4, s11;
	v63 =	vld [tilespmem:s28+$0x30];
	[tilespmem:s0+$0x70] =	vst v60  }
0x2dd: {  	v5 =	vld [tilespmem:s28+$0x60];
	s21 =	sadd.s32 s29, s11;
	[tilespmem:s2+$0x0] =	vst v54  }
0x2de: {  	v60 =	vld [tilespmem:s28+$0x20];
	[tilespmem:s2+$0x10] =	vst v55;
	s0 =	sshrl.u32 s21, $0x3  }
0x2df: {  	v4 =	vld [tilespmem:s28+$0x40];
	[tilespmem:s2+$0x20] =	vst v53;
	s0 =	smul.u32 $0x3000, s0;
	v1 =	vmul.f32 v50, v40  }
0x2e0: {  	s3 =	sadd.s32 $0x200, s3;
	[tilespmem:s2+$0x30] =	vst v58;
	v40 =	vmul.f32 v57, v42;
	v50 =	vmul.f32 v32, v31;
	v31 =	vld [tilespmem:s28+$0x50]  }
0x2e1: {  	s30 =	sadd.s32 $0x200, s30;
	[tilespmem:s2+$0x40] =	vst v56;
	v42 =	vmul.f32 v59, v43;
	v43 =	vmul.f32 v61, v44;
	v32 =	vld [tilespmem:s3+$0x80];
	s0 =	sshra.s32 s0, $0x2  }
0x2e2: {  	s8 =	sand.u32 $0x380, s30;
	[tilespmem:s2+$0x50] =	vst v52;
	v44 =	vmul.f32 v63, v37;
	v37 =	vmul.f32 v5, v35;
	v35 =	vld [tilespmem:s3+$0xFFFFFF00];
	s5 =	sadd.s32 $0x400, s0  }
0x2e3: {  	[tilespmem:s31+$0x0] =	vst v47;
	v52 =	vmul.f32 v60, v33;
	v33 =	vld [tilespmem:s3+$0xFFFFFF80];
	s1 =	sor.u32 s8, s5  }
0x2e4: {  	v0 =	vmul.f32 v46, v39;
	[tilespmem:s2+$0x60] =	vst v49;
	v56 =	vld [tilespmem:s1+$0x0]  }
0x2e5: {  	[tilespmem:s2+$0x70] =	vst v48;
	v57 =	vld [tilespmem:s1+$0x10]  }
0x2e6: {  	v39 =	vmul.f32 v51, v41;
	[tilespmem:s31+$0x10] =	vst v0;
	v34 =	vld [tilespmem:s1+$0x20]  }
0x2e7: {  	v45 =	vmul.f32 v62, v45;
	v46 =	vmul.f32 v4, v36;
	[tilespmem:s31+$0x20] =	vst v1;
	v59 =	vld [tilespmem:s1+$0x30]  }
0x2e8: {  	s4 =	sadd.s32 $0xFFFFFE80, s30;
	[tilespmem:s31+$0x30] =	vst v39;
	v61 =	vld [tilespmem:s1+$0x40];
	v38 =	vmul.f32 v31, v28;
	v58 =	vmul.f32 v32, v8  }
0x2e9: {  	s13 =	sand.u32 $0x200, s4;
	[tilespmem:s31+$0x40] =	vst v40;
	v63 =	vld [tilespmem:s1+$0x50];
	v3 =	vmul.f32 v32, v23;
	v60 =	vmul.f32 v32, v9  }
0x2ea: {  	[tilespmem:s31+$0x50] =	vst v42;
	s22 =	sor.u32 s13, s5;
	v5 =	vld [tilespmem:s1+$0x60];
	v62 =	vmul.f32 v32, v10;
	v0 =	vmul.f32 v58, v56  }
0x2eb: {  	v49 =	vld [tilespmem:s22+$0x0];
	v4 =	vmul.f32 v32, v11;
	[tilespmem:$0x1FE60] =	vst v3;
	v1 =	vmul.f32 v57, v60  }
0x2ec: {  	v51 =	vld [tilespmem:s22+$0x10];
	v55 =	vmul.f32 v32, v12;
	v54 =	vmul.f32 v34, v62;
	[tilespmem:s1+$0x0] =	vst v0  }
0x2ed: {  	v56 =	vld [tilespmem:s1+$0x70];
	v57 =	vmul.f32 v59, v4;
	v58 =	vmul.f32 v32, v13;
	[tilespmem:s1+$0x10] =	vst v1  }
0x2ee: {  	v47 =	vld [tilespmem:s22+$0x20];
	v59 =	vmul.f32 v61, v55;
	v60 =	vmul.f32 v32, v14;
	[tilespmem:s1+$0x20] =	vst v54  }
0x2ef: {  	v48 =	vld [tilespmem:s22+$0x30];
	[tilespmem:s1+$0x30] =	vst v57;
	v61 =	vmul.f32 v63, v58;
	v0 =	vmul.f32 v35, v8  }
0x2f0: {  	s6 =	sadd.s32 $0xFFFFFF00, s30;
	v28 =	vld [tilespmem:$0x1FF60];
	v62 =	vmul.f32 v32, v15;
	[tilespmem:s1+$0x40] =	vst v59;
	v63 =	vmul.f32 v5, v60  }
0x2f1: {  	s12 =	sand.u32 $0x280, s6;
	v34 =	vld [tilespmem:s3+$0x0];
	v1 =	vmul.f32 v35, v10;
	[tilespmem:s1+$0x50] =	vst v61;
	v0 =	vmul.f32 v0, v49  }
0x2f2: {  	s9 =	sor.u32 s12, s5;
	v55 =	vmul.f32 v35, v11;
	v54 =	vld [tilespmem:s22+$0x40];
	[tilespmem:s1+$0x60] =	vst v63;
	v4 =	vmul.f32 v56, v62  }
0x2f3: {  	s23 =	sadd.s32 $0x800, s0;
	v1 =	vmul.f32 v47, v1;
	v47 =	vld [tilespmem:s9+$0x50];
	[tilespmem:s22+$0x0] =	vst v0  }
0x2f4: {  	s14 =	sor.u32 s8, s23;
	v0 =	vmul.f32 v48, v55;
	v48 =	vld [tilespmem:s9+$0x60];
	[tilespmem:s1+$0x70] =	vst v4  }
0x2f5: {  	[tilespmem:s31+$0x60] =	vst v43;
	v56 =	vld [tilespmem:s14+$0x0]  }
0x2f6: {  	[tilespmem:s31+$0x70] =	vst v45;
	v58 =	vld [tilespmem:s14+$0x10]  }
0x2f7: {  	v2 =	vmul.f32 v2, v25;
	v60 =	vld [tilespmem:s14+$0x20];
	[tilespmem:s28+$0x0] =	vst v50  }
0x2f8: {  	v53 =	vmul.f32 v35, v9;
	[tilespmem:s22+$0x20] =	vst v1;
	v62 =	vld [tilespmem:s14+$0x30]  }
0x2f9: {  	v59 =	vmul.f32 v35, v15;
	v61 =	vmul.f32 v32, v24;
	v4 =	vmov v15;
	[tilespmem:s28+$0x10] =	vst v2;
	v15 =	vld [tilespmem:$0x1FEE0]  }
0x2fa: {  	v30 =	vmov v23;
	v23 =	vmul.f32 v35, v23;
	v63 =	vmul.f32 v32, v19;
	v3 =	vld [tilespmem:s14+$0x40];
	[tilespmem:s28+$0x20] =	vst v52  }
0x2fb: {  	v5 =	vmul.f32 v32, v20;
	v52 =	vmul.f32 v56, v61;
	v61 =	vld [tilespmem:s14+$0x50];
	[tilespmem:s28+$0x30] =	vst v44  }
0x2fc: {  	v36 =	vmul.f32 v33, v8;
	[tilespmem:s22+$0x30] =	vst v0;
	v44 =	vmul.f32 v58, v63;
	v63 =	vld [tilespmem:s14+$0x60]  }
0x2fd: {  	v58 =	vmul.f32 v32, v21;
	[tilespmem:s28+$0x40] =	vst v46;
	v46 =	vmul.f32 v60, v5;
	v60 =	vld [tilespmem:s22+$0x50]  }
0x2fe: {  	v39 =	vmul.f32 v33, v9;
	v5 =	vmul.f32 v32, v26;
	[tilespmem:s14+$0x0] =	vst v52;
	v56 =	vld [tilespmem:s14+$0x70]  }
0x2ff: {  	[tilespmem:s14+$0x10] =	vst v44;
	v44 =	vmul.f32 v62, v58;
	v58 =	vmul.f32 v32, v29;
	v52 =	vld [tilespmem:s22+$0x70]  }
0x300: {  	v62 =	vld [tilespmem:s22+$0x60];
	[tilespmem:s14+$0x20] =	vst v46;
	v3 =	vmul.f32 v3, v5;
	v46 =	vmul.f32 v32, v15  }
0x301: {  	s7 =	sadd.s32 $0xFFFFFF80, s30;
	[tilespmem:s14+$0x30] =	vst v44;
	v44 =	vmul.f32 v61, v58;
	v58 =	vmul.f32 v32, v22;
	v61 =	vld [tilespmem:s9+$0x0]  }
0x302: {  	s10 =	sand.u32 $0x300, s7;
	v40 =	vmul.f32 v33, v10;
	[tilespmem:s14+$0x40] =	vst v3;
	v3 =	vmul.f32 v63, v46;
	v46 =	vld [tilespmem:s9+$0x10]  }
0x303: {  	s5 =	sor.u32 s10, s5;
	v41 =	vmul.f32 v33, v11;
	[tilespmem:s14+$0x50] =	vst v44;
	v44 =	vmul.f32 v56, v58;
	v56 =	vld [tilespmem:s9+$0x20]  }
0x304: {  	s15 =	sadd.s32 $0xC00, s0;
	v42 =	vmul.f32 v33, v12;
	v0 =	vmul.f32 v52, v59;
	v52 =	vld [tilespmem:s5+$0x20];
	[tilespmem:s14+$0x60] =	vst v3  }
0x305: {  	s8 =	sor.u32 s8, s15;
	v43 =	vmul.f32 v35, v12;
	v45 =	vmul.f32 v35, v14;
	v3 =	vld [tilespmem:s9+$0x30];
	[tilespmem:s14+$0x70] =	vst v44  }
0x306: {  	v58 =	vmul.f32 v34, v9;
	v9 =	vld [tilespmem:s8+$0x70];
	[tilespmem:s28+$0x60] =	vst v37;
	v37 =	vmul.f32 v51, v53  }
0x307: {  	v57 =	vmul.f32 v35, v13;
	v6 =	vmul.f32 v34, v11;
	[tilespmem:s28+$0x50] =	vst v38;
	v38 =	vld [tilespmem:s9+$0x40]  }
0x308: {  	v7 =	vmul.f32 v34, v12;
	v53 =	vld [tilespmem:s9+$0x70];
	[tilespmem:s22+$0x10] =	vst v37;
	v37 =	vmul.f32 v54, v43  }
0x309: {  	v1 =	vmul.f32 v33, v19;
	[tilespmem:s22+$0x70] =	vst v0;
	v43 =	vmul.f32 v60, v57;
	v60 =	vld [tilespmem:s5+$0x0]  }
0x30a: {  	v50 =	vmul.f32 v33, v13;
	v57 =	vmul.f32 v62, v45;
	v62 =	vld [tilespmem:s5+$0x10];
	[tilespmem:s22+$0x40] =	vst v37  }
0x30b: {  	v2 =	vmul.f32 v33, v14;
	v17 =	vmov v4;
	v4 =	vmul.f32 v33, v4;
	v54 =	vld [tilespmem:s5+$0x30];
	[tilespmem:s22+$0x50] =	vst v43  }
0x30c: {  	s24 =	sor.u32 s13, s23;
	v55 =	vmul.f32 v47, v50;
	v40 =	vmul.f32 v56, v40;
	v56 =	vld [tilespmem:s5+$0x40];
	[tilespmem:s22+$0x60] =	vst v57  }
0x30d: {  	v47 =	vmul.f32 v35, v19;
	v39 =	vmul.f32 v46, v39;
	v46 =	vld [tilespmem:s24+$0x0]  }
0x30e: {  	v49 =	vmul.f32 v34, v17;
	v2 =	vmul.f32 v48, v2;
	v37 =	vld [tilespmem:s24+$0x10]  }
0x30f: {  	v48 =	vmul.f32 v35, v20;
	v5 =	vmul.f32 v34, v10;
	[tilespmem:s9+$0x20] =	vst v40;
	v40 =	vld [tilespmem:s24+$0x20]  }
0x310: {  	[tilespmem:s9+$0x50] =	vst v55;
	v63 =	vmul.f32 v34, v8;
	v36 =	vmul.f32 v36, v61;
	v50 =	vld [tilespmem:s24+$0x60]  }
0x311: {  	[tilespmem:s9+$0x60] =	vst v2;
	v51 =	vmul.f32 v32, v28;
	v5 =	vmul.f32 v52, v5;
	v52 =	vld [tilespmem:s24+$0x70]  }
0x312: {  	[tilespmem:s9+$0x0] =	vst v36;
	v3 =	vmul.f32 v3, v41;
	v59 =	vmul.f32 v63, v60;
	v60 =	vld [tilespmem:s5+$0x50]  }
0x313: {  	[tilespmem:s9+$0x10] =	vst v39;
	v9 =	vmul.f32 v9, v51;
	v61 =	vmul.f32 v62, v58;
	v62 =	vld [tilespmem:s5+$0x60]  }
0x314: {  	v55 =	vmul.f32 v33, v29;
	s28 =	smov.u32 s8;
	v57 =	vmul.f32 v53, v4;
	[tilespmem:s9+$0x30] =	vst v3;
	v63 =	vld [tilespmem:s5+$0x70]  }
0x315: {  	v2 =	vmul.f32 v33, v24;
	[tilespmem:s28+$0x70] =	vst v9;
	v9 =	vmul.f32 v38, v42;
	v42 =	vld [tilespmem:s24+$0x30]  }
0x316: {  	v8 =	vmul.f32 v34, v14;
	v44 =	vmul.f32 v34, v13;
	v38 =	vld [tilespmem:s24+$0x50];
	[tilespmem:s9+$0x70] =	vst v57  }
0x317: {  	s25 =	sor.u32 s12, s23;
	v0 =	vmul.f32 v35, v24;
	v45 =	vmul.f32 v35, v15;
	[tilespmem:s9+$0x40] =	vst v9;
	v9 =	vld [tilespmem:s24+$0x40]  }
0x318: {  	v39 =	vmul.f32 v35, v21;
	v41 =	vmul.f32 v35, v26;
	v4 =	vld [tilespmem:s25+$0x0]  }
0x319: {  	[tilespmem:s5+$0x20] =	vst v5;
	v5 =	vmul.f32 v34, v24;
	v51 =	vmul.f32 v33, v20;
	v43 =	vld [tilespmem:s25+$0x10]  }
0x31a: {  	v53 =	vmul.f32 v33, v21;
	v6 =	vmul.f32 v54, v6;
	v58 =	vld [tilespmem:s25+$0x20]  }
0x31b: {  	v7 =	vmul.f32 v56, v7;
	[tilespmem:s5+$0x0] =	vst v59;
	v0 =	vmul.f32 v46, v0;
	v46 =	vld [tilespmem:s25+$0x50]  }
0x31c: {  	v54 =	vmul.f32 v33, v26;
	[tilespmem:s5+$0x10] =	vst v61;
	v37 =	vmul.f32 v37, v47;
	v47 =	vld [tilespmem:s25+$0x60]  }
0x31d: {  	v56 =	vmul.f32 v33, v15;
	[tilespmem:s5+$0x30] =	vst v6;
	v3 =	vmul.f32 v60, v44;
	v60 =	vld [tilespmem:s25+$0x30]  }
0x31e: {  	[tilespmem:s5+$0x40] =	vst v7;
	v8 =	vmul.f32 v62, v8;
	v36 =	vmul.f32 v63, v49;
	v62 =	vld [tilespmem:s25+$0x40]  }
0x31f: {  	v57 =	vmul.f32 v33, v22;
	v63 =	vmul.f32 v34, v15;
	v15 =	vld [tilespmem:$0x1FEF0];
	[tilespmem:s5+$0x50] =	vst v3  }
0x320: {  	v6 =	vmul.f32 v34, v19;
	v40 =	vmul.f32 v40, v48;
	[tilespmem:s5+$0x70] =	vst v36;
	v36 =	vld [tilespmem:s25+$0x70]  }
0x321: {  	s26 =	sor.u32 s10, s23;
	v44 =	vmul.f32 v35, v29;
	v3 =	vmul.f32 v34, v29;
	[tilespmem:s5+$0x60] =	vst v8;
	v29 =	vld [tilespmem:$0x1FF40]  }
0x322: {  	v49 =	vmul.f32 v35, v22;
	[tilespmem:s24+$0x0] =	vst v0;
	v0 =	vmul.f32 v42, v39;
	v48 =	vld [tilespmem:s26+$0x0]  }
0x323: {  	[tilespmem:s24+$0x10] =	vst v37;
	v37 =	vmul.f32 v38, v44;
	v38 =	vmul.f32 v50, v45;
	v50 =	vld [tilespmem:s26+$0x10]  }
0x324: {  	[tilespmem:s24+$0x20] =	vst v40;
	v9 =	vmul.f32 v9, v41;
	v49 =	vmul.f32 v52, v49;
	v52 =	vld [tilespmem:s26+$0x20]  }
0x325: {  	[tilespmem:s24+$0x30] =	vst v0;
	v0 =	vmul.f32 v43, v1;
	v1 =	vmul.f32 v58, v51;
	v58 =	vld [tilespmem:s26+$0x40]  }
0x326: {  	v59 =	vmul.f32 v34, v20;
	v7 =	vmul.f32 v34, v21;
	[tilespmem:s24+$0x60] =	vst v38;
	v38 =	vld [tilespmem:$0x1FF00]  }
0x327: {  	v61 =	vmul.f32 v34, v26;
	[tilespmem:s24+$0x40] =	vst v9;
	v42 =	vmul.f32 v62, v54;
	v54 =	vld [tilespmem:s26+$0x30]  }
0x328: {  	v2 =	vmul.f32 v4, v2;
	[tilespmem:s24+$0x50] =	vst v37;
	v9 =	vmul.f32 v60, v53;
	v60 =	vld [tilespmem:s26+$0x50]  }
0x329: {  	s0 =	sor.u32 s13, s15;
	v44 =	vmul.f32 v47, v56;
	v47 =	vmul.f32 v35, v16;
	[tilespmem:s24+$0x70] =	vst v49;
	v62 =	vld [tilespmem:s26+$0x70]  }
0x32a: {  	v37 =	vmul.f32 v46, v55;
	v46 =	vmul.f32 v35, v18;
	v51 =	vld [tilespmem:s0+$0x20]  }
0x32b: {  	v56 =	vld [tilespmem:s0+$0x50];
	v36 =	vmul.f32 v36, v57;
	v55 =	vmul.f32 v35, v29  }
0x32c: {  	v26 =	vmovc v20;
	v20 =	vmov v12;
	[tilespmem:s25+$0x30] =	vst v9;
	v9 =	vld [tilespmem:s0+$0x30];
	v57 =	vmul.f32 v35, v28;
	v12 =	vmul.f32 v33, v29  }
0x32d: {  	[tilespmem:s25+$0x60] =	vst v44;
	v44 =	vmul.f32 v34, v29;
	v4 =	vmul.f32 v50, v6;
	v6 =	vld [tilespmem:s26+$0x60]  }
0x32e: {  	[tilespmem:s25+$0x0] =	vst v2;
	v5 =	vmul.f32 v48, v5;
	v2 =	vmul.f32 v52, v59;
	v48 =	vld [tilespmem:s0+$0x0]  }
0x32f: {  	[tilespmem:s25+$0x10] =	vst v0;
	v50 =	vmul.f32 v35, v27;
	v52 =	vmul.f32 v35, v15;
	v59 =	vld [tilespmem:s0+$0x60]  }
0x330: {  	[tilespmem:s25+$0x20] =	vst v1;
	v53 =	vmul.f32 v35, v38;
	v35 =	vmul.f32 v32, v29;
	v29 =	vld [tilespmem:$0x1FF30]  }
0x331: {  	[tilespmem:s25+$0x50] =	vst v37;
	v43 =	vmul.f32 v54, v7;
	v7 =	vld [tilespmem:s0+$0x10]  }
0x332: {  	v25 =	vmul.f32 v32, v16;
	v8 =	vmul.f32 v34, v22;
	[tilespmem:s25+$0x40] =	vst v42;
	v54 =	vld [tilespmem:s0+$0x40]  }
0x333: {  	s2 =	sor.u32 s12, s15;
	v49 =	vmovc v24;
	v24 =	vmov v10;
	v10 =	vmul.f32 v33, v15;
	[tilespmem:s25+$0x70] =	vst v36;
	v3 =	vmul.f32 v60, v3;
	v60 =	vld [tilespmem:s0+$0x70]  }
0x334: {  	v37 =	vmul.f32 v32, v27;
	v45 =	vmul.f32 v58, v61;
	[tilespmem:s26+$0x0] =	vst v5;
	v5 =	vld [tilespmem:s2+$0x0]  }
0x335: {  	v31 =	vmov v22;
	v58 =	vmul.f32 v33, v30;
	v61 =	vmul.f32 v33, v16;
	[tilespmem:s26+$0x10] =	vst v4;
	v4 =	vld [tilespmem:s2+$0x10]  }
0x336: {  	v19 =	vmovc v11;
	v22 =	vmov v14;
	v11 =	vmul.f32 v33, v38;
	v36 =	vmul.f32 v32, v15;
	[tilespmem:s26+$0x20] =	vst v2;
	v14 =	vld [tilespmem:s2+$0x20]  }
0x337: {  	v8 =	vmul.f32 v62, v8;
	v62 =	vmul.f32 v33, v18;
	v0 =	vld [tilespmem:s2+$0x30];
	[tilespmem:s26+$0x40] =	vst v45  }
0x338: {  	v17 =	vmov v18;
	v18 =	vmul.f32 v33, v28;
	v1 =	vld [tilespmem:s2+$0x40];
	v45 =	vmul.f32 v34, v28;
	[tilespmem:s26+$0x30] =	vst v43  }
0x339: {  	v28 =	vmul.f32 v32, v38;
	[tilespmem:s26+$0x50] =	vst v3;
	v3 =	vld [tilespmem:s2+$0x50];
	v9 =	vmul.f32 v9, v50  }
0x33a: {  	[tilespmem:s26+$0x70] =	vst v8;
	v8 =	vld [tilespmem:s2+$0x70];
	v6 =	vmul.f32 v6, v63;
	v63 =	vmul.f32 v33, v27  }
0x33b: {  	v33 =	vmul.f32 v32, v17;
	v32 =	vmul.f32 v51, v46;
	[tilespmem:s0+$0x30] =	vst v9;
	v9 =	vld [tilespmem:$0x1FF20]  }
0x33c: {  	[tilespmem:s26+$0x60] =	vst v6;
	v6 =	vld [tilespmem:s2+$0x60]  }
0x33d: {  	s31 =	sor.u32 s10, s15;
	[tilespmem:s0+$0x20] =	vst v32;
	v32 =	vld [tilespmem:s28+$0x0]  }
0x33e: {  	v42 =	vmul.f32 v34, v15;
	v15 =	vld [tilespmem:s31+$0x0]  }
0x33f: {  	v46 =	vld [tilespmem:s31+$0x10]  }
0x340: {  	v39 =	vmul.f32 v34, v16;
	v40 =	vmul.f32 v34, v17;
	v50 =	vld [tilespmem:s31+$0x20]  }
0x341: {  	v41 =	vmul.f32 v34, v27;
	v2 =	vmul.f32 v34, v30;
	v51 =	vld [tilespmem:s31+$0x30]  }
0x342: {  	v43 =	vmul.f32 v34, v38;
	v60 =	vmul.f32 v60, v57;
	v57 =	vld [tilespmem:s31+$0x40]  }
0x343: {  	v38 =	vmul.f32 v59, v55;
	v7 =	vmul.f32 v7, v47;
	v59 =	vld [tilespmem:s31+$0x50]  }
0x344: {  	v48 =	vmul.f32 v48, v23;
	v55 =	vmul.f32 v4, v61;
	v61 =	vld [tilespmem:s31+$0x60]  }
0x345: {  	p0 =	slt.u32 s11, $0x3C;
	[tilespmem:s0+$0x10] =	vst v7;
	v7 =	vmul.f32 v56, v53;
	v53 =	vmul.f32 v14, v62;
	v14 =	vmovc v22;
	v22 =	vmov v31;
	v31 =	vld [tilespmem:$0x1FE60]  }
.Ltmp2:
0x346: {  	v34 =	vmul.f32 v54, v52;
	v52 =	vmul.f32 v3, v11;
	v11 =	vmov v19;
	v19 =	vld [tilespmem:$0x1FF70];
	(pc) =	sbr.rel @p0 .LBB2_7-.Ltmp2, $4  }
0x347: {  	[tilespmem:s0+$0x0] =	vst v48;
	v54 =	vmul.f32 v5, v58;
	v62 =	vld [tilespmem:s31+$0x70]  }
0x348: {  	[tilespmem:s0+$0x60] =	vst v38;
	v56 =	vmul.f32 v1, v10;
	v48 =	vmul.f32 v8, v18;
	v8 =	vld [tilespmem:$0x1FF10]  }
0x349: {  	[tilespmem:s0+$0x40] =	vst v34;
	v10 =	vmovc v24;
	v24 =	vmovc v49;
	v49 =	vmul.f32 v6, v12;
	v12 =	vmov v20;
	v20 =	vmov v26;
	v26 =	vld [tilespmem:$0x1FF50]  }
0x34a: {  	v23 =	vmovc v30;
	v58 =	vmul.f32 v0, v63;
	v18 =	vmov v17;
	[tilespmem:s0+$0x50] =	vst v7;
	v47 =	vmul.f32 v15, v2;
	v15 =	vld [tilespmem:$0x1FF80]  }
0x34b: {  	[tilespmem:s0+$0x70] =	vst v60  }
0x34c: {  	[tilespmem:s2+$0x0] =	vst v54  }
0x34d: {  	[tilespmem:s2+$0x10] =	vst v55  }
0x34e: {  	[tilespmem:s2+$0x20] =	vst v53  }
0x34f: {  	[tilespmem:s2+$0x40] =	vst v56  }
0x350: {  	[tilespmem:s2+$0x50] =	vst v52  }
0x351: {  	[tilespmem:s2+$0x60] =	vst v49  }
0x352: {  	[tilespmem:s2+$0x70] =	vst v48  }
0x353: {  	v0 =	vmul.f32 v46, v39;
	[tilespmem:s2+$0x30] =	vst v58  }
0x354: {  	v1 =	vmul.f32 v50, v40;
	[tilespmem:s31+$0x0] =	vst v47  }
0x355: {  	v2 =	vmul.f32 v51, v41;
	[tilespmem:s31+$0x10] =	vst v0  }
0x356: {  	v3 =	vmul.f32 v57, v42;
	v0 =	vld [tilespmem:s28+$0x10];
	[tilespmem:s31+$0x20] =	vst v1  }
0x357: {  	v4 =	vmul.f32 v59, v43;
	v1 =	vld [tilespmem:s28+$0x20];
	[tilespmem:s31+$0x30] =	vst v2  }
0x358: {  	v5 =	vld [tilespmem:s28+$0x30];
	v2 =	vmul.f32 v61, v44;
	[tilespmem:s31+$0x40] =	vst v3  }
0x359: {  	v6 =	vld [tilespmem:s28+$0x40];
	v3 =	vmul.f32 v62, v45;
	[tilespmem:s31+$0x50] =	vst v4  }
0x35a: {  	v7 =	vld [tilespmem:s28+$0x50];
	v4 =	vmul.f32 v32, v31;
	[tilespmem:s31+$0x60] =	vst v2  }
0x35b: {  	v2 =	vld [tilespmem:s28+$0x60];
	[tilespmem:s31+$0x70] =	vst v3;
	v0 =	vmul.f32 v0, v25  }
0x35c: {  	[tilespmem:s28+$0x0] =	vst v4;
	v1 =	vmul.f32 v1, v33  }
0x35d: {  	v3 =	vmul.f32 v5, v37;
	[tilespmem:s28+$0x10] =	vst v0  }
0x35e: {  	v0 =	vmul.f32 v6, v36;
	s4 =	rddreg [dreg:$0xb];
	[tilespmem:s28+$0x20] =	vst v1  }
0x35f: {  	v1 =	vmul.f32 v7, v28;
	s1 =	rddreg [dreg:$0x5];
	[tilespmem:s28+$0x30] =	vst v3  }
0x360: {  	v2 =	vmul.f32 v2, v35;
	s2 =	rddreg [dreg:$0xc];
	[tilespmem:s28+$0x40] =	vst v0  }
0x361: {  	[tilespmem:s28+$0x50] =	vst v1  }
0x362: {  	s29 =	sshll.u32 s4, $0x6;
	s4 =	sadd.s32 $0x1, s4;
	[tilespmem:s28+$0x60] =	vst v2  }
0x363: {  	s0 =	sadd.s32 s1, s29;
	p0 =	sne.s32 s4, $0x10;
	s30 =	smul.u32 $0x18000, s2;
	v3 =	vld [tilespmem:$0x1FFC0]  }
.Ltmp3:
0x364: {  	s0 =	sshrl.u32 s0, $0x3;
	v4 =	vld [tilespmem:$0x1FFD0];
	(pc) =	sbr.rel @p0 .LBB2_2-.Ltmp3, $4  }
0x365: {  	s3 =	rddreg [dreg:$0x3];
	s31 =	simm.s32 $0x0;
	v5 =	vld [tilespmem:$0x1FFE0];
	s0 =	smul.u32 $0x180, s0  }
0x366: {  	s2 =	sadd.s32 $0x5, s2;
	s7 =	rddreg [dreg:$0xa];
	v6 =	vld [tilespmem:$0x1FFF0];
	s1 =	sshrl.u32 s30, $0x2  }
0x367: {  	v25 =	vld [tilespmem:$0x1FF40];
	s7 =	sadd.s32 $0x1, s7;
	s1 =	sor.u32 $0x400, s1;
	s0 =	sadd.s32 s3, s0  }
0x368: {  	v28 =	vld [tilespmem:$0x1FF60];
	[hbm4b:s0+s31] =	stream.linear.scatter [tilespmem:s1], [sflag:s2], $0x6000, $0x38  }
0x369: {  	s0 =	simm.s32 $0x7  }
0x36a: {  	_ =	swait.ge [sflag:s0], $0x6000  }
0x36b: {  	[sflag:s0] =	ssyncset.done $0x0  }
0x36c: {  	s1 =	simm.s32 $0x8;
	[sflag:s0] =	ssyncadd.s32 $0xFFFFA000  }
0x36d: {  	_ =	swait.ge [sflag:s1], $0x6000  }
0x36e: {  	s2 =	rddreg [dreg:$0x9]  }
0x36f: {  	s31 =	rddreg [dreg:$0x8];
	s2 =	sadd.s32 $0x1, s2  }
0x370: {  	p0 =	sne.s32 s2, s31  }
.Ltmp4:
0x371: {  	_ = 	snop;
	(pc) =	sbr.rel @p0 .LBB2_1-.Ltmp4, $3  }
0x372: {  	_ =	sdelay $0x1  }
0x373: {  	[sflag:s1] =	ssyncset.done $0x0  }
0x374: {  	[sflag:s1] =	ssyncadd.s32 $0xFFFFA000  }
0x375: {  	_ =	sfence.sel $0x180000  }
0x376: {  	[bflag:$0x0] =	sbarrier.arrive $0xFFFF  }
0x377: {  	_ =	strace $0x90000047  }
0x378: {  	s0 =	stileid.u32;
	[bflag:$0x2] =	sbarrier.arrive $0xFFFF  }
0x379: {  	p0 =	sne.s32 s0, $0x0;
	s0 =	rddreg [dreg:$0x4]  }
0x37a: {  	s0 =	sadd.s32 @!p0 $0x100000, s0  }
0x37b: {  	[sflag:s0] =	ssyncadd.tile.s32 @!p0 $0x1;
	_ =	shalt  }
.Lfunc_end2:
_tile_overlayer_lowered:
.L_overlay_start_2:
0x37c: {  	(tag) =	ssettag $0x2  }
0x37d: {  	s0 =	rddreg [dreg:$0x0];
	s2 =	stileid.u32  }
0x37e: {  	s1 =	rddreg [dreg:$0x1];
	p0 =	sne.s32 s2, $0x0  }
0x37f: {  	s3 =	rddreg [dreg:$0x2];
	[bflag:$0x3] =	sbarrier.arrive $0xFFFF;
	s2 =	simm.s32 @!p0 $0x1C09  }
0x380: {  	[timem:s3], [sflag:s2] =	dma.local @!p0 [hbm:s0], s1  }
0x381: {  	s0 =	simm.s32 @!p0 $0x9  }
0x382: {  	_ =	swait.ge @!p0 [sflag:s0], s1  }
0x383: {  	s1 =	ssub.s32 @!p0 $0x0, s1;
	[sflag:s0] =	ssyncset.done @!p0 $0x0  }
0x384: {  	[sflag:s0] =	ssyncadd.s32 @!p0 s1  }
0x385: {  	[bflag:$0x3] =	sbarrier.arrive $0xFFFF  }
0x386: {  	_ =	shalt  }

</sc_bundles>
